<compile_context>
chip_gen: v7x
topology: tpu7x:2x2x1
jax: 0.10.2.dev20260603
libtpu: 0.0.44.dev20260713+nightly
codegen_flags: <defaults>
</compile_context>

<pallas_src>
import functools

import jax
import jax.numpy as jnp
from jax import lax
from jax.experimental import pallas as pl
from jax.experimental.pallas import tpu as pltpu
from jax.experimental.pallas import tpu_sc as plsc

_B = 16384
_E = 25
_VOCAB = 26
_PAD_ROW = 26
_VP = 32
_NC = 1
_NS = 16
_NW = _NC * _NS
_BPW = _B // _NW
_L = 16

_GDN = lax.GatherDimensionNumbers(
    offset_dims=(), collapsed_slice_dims=(0,), start_index_map=(0,)
)


def _vreg_gather(vec, idx):
    return lax.gather(
        vec, idx[:, None], _GDN, (1,),
        mode=lax.GatherScatterMode.PROMISE_IN_BOUNDS,
    )


@functools.lru_cache(maxsize=1)
def _build():
    mesh = plsc.VectorSubcoreMesh(
        core_axis_name="c", subcore_axis_name="s",
        num_cores=_NC, num_subcores=_NS,
    )

    @functools.partial(
        pl.kernel,
        out_type=jax.ShapeDtypeStruct((_E, _B), jnp.float32),
        mesh=mesh,
        scratch_types=[
            pltpu.VMEM((_E, _VP), jnp.float32),
            pltpu.VMEM((_BPW,), jnp.int32),
            pltpu.VMEM((_BPW,), jnp.int32),
            pltpu.VMEM((_E, _BPW), jnp.float32),
            pltpu.SemaphoreType.DMA,
        ],
        compiler_params=pltpu.CompilerParams(needs_layout_passes=False),
    )
    def emb(wt_hbm, col_hbm, len_hbm, out_hbm, tab_v, col_v, len_v, outt_v, sem):
        wid = lax.axis_index("s") * _NC + lax.axis_index("c")
        base = wid * _BPW
        cps = [
            pltpu.async_copy(wt_hbm, tab_v, sem),
            pltpu.async_copy(col_hbm.at[pl.ds(base, _BPW)], col_v, sem),
            pltpu.async_copy(len_hbm.at[pl.ds(base, _BPW)], len_v, sem),
        ]
        for cp in cps:
            cp.wait()

        @plsc.parallel_loop(0, _BPW, _L, unroll=1)
        def _(off):
            tok = col_v[pl.ds(off, _L)]
            ln = len_v[pl.ds(off, _L)]
            idx = jnp.where(ln > 0, tok, _PAD_ROW)
            lo = idx < _L
            idxm = lax.bitwise_and(idx, _L - 1)
            for c in range(_E):
                va = _vreg_gather(tab_v[c, pl.ds(0, _L)], idxm)
                vb = _vreg_gather(tab_v[c, pl.ds(_L, _L)], idxm)
                outt_v[c, pl.ds(off, _L)] = jnp.where(lo, va, vb)

        pltpu.sync_copy(outt_v, out_hbm.at[:, pl.ds(base, _BPW)])

    return emb


def kernel(input, lengths, weight):
    col = input[:, 0]
    wt = jnp.pad(weight.T, ((0, 0), (0, _VP - _VOCAB)))
    outt = _build()(wt, col, lengths)
    return outt.T

# --- scband reference (transcript-rebuilt; emitter-appended) ---
"""Pipeline reference for scband-bio-embedding-45715631899496 (READ-ONLY COPY).

The authoritative reference and input builder live on the scoring server;
editing this copy changes nothing except your own understanding.
"""

import jax, jax.numpy as jnp
import numpy as np

NUM_EMBEDDINGS = 25
BATCH = 16384
SEQ = 200


def _make_weight():
    w = jnp.zeros((NUM_EMBEDDINGS + 1, NUM_EMBEDDINGS), dtype=jnp.float32)
    w = w.at[0].set(1.0 / NUM_EMBEDDINGS)
    w = w.at[1:].set(jnp.eye(NUM_EMBEDDINGS, dtype=jnp.float32))
    return w


def setup_inputs(seed: int = 0) -> dict:
    key = jax.random.key(seed)
    inp = jax.random.randint(jax.random.fold_in(key, 1), (BATCH, SEQ), 0, NUM_EMBEDDINGS + 1, dtype=jnp.int32)
    lengths = jnp.ones((BATCH,), dtype=jnp.int32)  # pack_padded_sequence requires non-increasing lengths
    weight = _make_weight()
    return {"input": inp, "lengths": lengths, "weight": weight}


def reference(input, lengths, weight):
    # F.embedding gather: [B, H] -> [B, H, E]
    emb = jnp.take(weight, input, axis=0)
    # transpose(0, 1): [H, B, E]
    out = jnp.transpose(emb, (1, 0, 2))
    # pack_padded_sequence(output, lengths): concat over time steps t of out[t, :batch_sizes[t]]
    max_len = 1
    pieces = []
    for t in range(max_len):
        mask = (lengths > t).astype(out.dtype)[:, None]
        pieces.append(out[t] * mask)
    data = jnp.concatenate(pieces, axis=0)
    return data

if __name__ == "__main__":
    import jax
    _d = setup_inputs()
    print(jax.jit(kernel)(*tuple(_d.values())))

</pallas_src>

<mosaic_0001>
#map = affine_map<(d0, d1) -> (0, 0)>
#map1 = affine_map<(d0, d1) -> (0)>
module attributes {stable_mosaic.version = 14 : i64} {
  func.func @emb(%arg0: i32, %arg1: i32, %arg2: memref<25x32xf32, #tpu.memory_space<hbm>>, %arg3: memref<16384xi32, #tpu.memory_space<hbm>>, %arg4: memref<16384xi32, #tpu.memory_space<hbm>>, %arg5: memref<25x16384xf32, #tpu.memory_space<hbm>>, %arg6: memref<25x32xf32, #tpu.memory_space<vmem>>, %arg7: memref<1024xi32, #tpu.memory_space<vmem>>, %arg8: memref<1024xi32, #tpu.memory_space<vmem>>, %arg9: memref<25x1024xf32, #tpu.memory_space<vmem>>, %arg10: memref<!tpu.dma_semaphore, #tpu.memory_space<semaphore_mem>>) attributes {dimension_semantics = [#tpu.dimension_semantics<core_parallel>, #tpu.dimension_semantics<subcore_parallel>], iteration_bounds = array<i64: 1, 16>, scalar_prefetch = 0 : i64, scratch_operands = 5 : i64, tpu.core_type = #tpu.core_type<sc_vector_subcore>, window_params = [{transform_indices = #map}, {transform_indices = #map1}, {transform_indices = #map1}, {transform_indices = #map}]} {
    %mul3A = arith.constant 1 : i32
    %mul3A_0 = arith.muli %arg1, %mul3A : i32
    %add3A = arith.addi %mul3A_0, %arg0 : i32
    %mul3A_1 = arith.constant 1024 : i32
    %mul3A_2 = arith.muli %add3A, %mul3A_1 : i32
    tpu.enqueue_dma source(%arg2 : memref<25x32xf32, #tpu.memory_space<hbm>>) target(%arg6 : memref<25x32xf32, #tpu.memory_space<vmem>>) target_semaphore(%arg10 : memref<!tpu.dma_semaphore, #tpu.memory_space<semaphore_mem>>)
    %dma_start3A = tpu.memref_slice %arg3[%mul3A_2] : memref<16384xi32, #tpu.memory_space<hbm>> -> memref<1024xi32, #tpu.memory_space<hbm>>
    %dma_start3A_3 = tpu.memref_slice %arg3[%mul3A_2] : memref<16384xi32, #tpu.memory_space<hbm>> -> memref<1024xi32, #tpu.memory_space<hbm>>
    tpu.enqueue_dma source(%dma_start3A_3 : memref<1024xi32, #tpu.memory_space<hbm>>) target(%arg7 : memref<1024xi32, #tpu.memory_space<vmem>>) target_semaphore(%arg10 : memref<!tpu.dma_semaphore, #tpu.memory_space<semaphore_mem>>)
    %dma_start3A_4 = tpu.memref_slice %arg4[%mul3A_2] : memref<16384xi32, #tpu.memory_space<hbm>> -> memref<1024xi32, #tpu.memory_space<hbm>>
    %dma_start3A_5 = tpu.memref_slice %arg4[%mul3A_2] : memref<16384xi32, #tpu.memory_space<hbm>> -> memref<1024xi32, #tpu.memory_space<hbm>>
    tpu.enqueue_dma source(%dma_start3A_5 : memref<1024xi32, #tpu.memory_space<hbm>>) target(%arg8 : memref<1024xi32, #tpu.memory_space<vmem>>) target_semaphore(%arg10 : memref<!tpu.dma_semaphore, #tpu.memory_space<semaphore_mem>>)
    tpu.wait_dma2 semaphore(%arg10 : memref<!tpu.dma_semaphore, #tpu.memory_space<semaphore_mem>>) src(%arg2 : memref<25x32xf32, #tpu.memory_space<hbm>>) dst(%arg6 : memref<25x32xf32, #tpu.memory_space<vmem>>)
    %dma_wait3A = tpu.memref_slice %arg3[%mul3A_2] : memref<16384xi32, #tpu.memory_space<hbm>> -> memref<1024xi32, #tpu.memory_space<hbm>>
    %dma_wait3A_6 = tpu.memref_slice %arg3[%mul3A_2] : memref<16384xi32, #tpu.memory_space<hbm>> -> memref<1024xi32, #tpu.memory_space<hbm>>
    tpu.wait_dma2 semaphore(%arg10 : memref<!tpu.dma_semaphore, #tpu.memory_space<semaphore_mem>>) src(%dma_wait3A_6 : memref<1024xi32, #tpu.memory_space<hbm>>) dst(%arg7 : memref<1024xi32, #tpu.memory_space<vmem>>)
    %dma_wait3A_7 = tpu.memref_slice %arg4[%mul3A_2] : memref<16384xi32, #tpu.memory_space<hbm>> -> memref<1024xi32, #tpu.memory_space<hbm>>
    %dma_wait3A_8 = tpu.memref_slice %arg4[%mul3A_2] : memref<16384xi32, #tpu.memory_space<hbm>> -> memref<1024xi32, #tpu.memory_space<hbm>>
    tpu.wait_dma2 semaphore(%arg10 : memref<!tpu.dma_semaphore, #tpu.memory_space<semaphore_mem>>) src(%dma_wait3A_8 : memref<1024xi32, #tpu.memory_space<hbm>>) dst(%arg8 : memref<1024xi32, #tpu.memory_space<vmem>>)
    %parallel_loop3A = arith.constant 0 : i32
    %parallel_loop3A_9 = arith.constant 1024 : i32
    %parallel_loop3A_10 = arith.constant 16 : i32
    scf.for %parallel_loop3A_11 = %parallel_loop3A to %parallel_loop3A_9 step %parallel_loop3A_10  : i32 {
      %parallel_loop3A_12 = arith.index_cast %parallel_loop3A_11 : i32 to index
      %parallel_loop3A_13 = tpu.vector_load %arg7[%parallel_loop3A_12] {strides = array<i32>} : memref<1024xi32, #tpu.memory_space<vmem>>, vector<16xi32>,
      %parallel_loop3A_14 = arith.index_cast %parallel_loop3A_11 : i32 to index
      %parallel_loop3A_15 = tpu.vector_load %arg8[%parallel_loop3A_14] {strides = array<i32>} : memref<1024xi32, #tpu.memory_space<vmem>>, vector<16xi32>,
      %parallel_loop3A_16 = arith.constant 0 : i32
      %parallel_loop3A_17 = vector.broadcast %parallel_loop3A_16 : i32 to vector<16xi32>
      %parallel_loop3A_18 = arith.cmpi sgt, %parallel_loop3A_15, %parallel_loop3A_17 : vector<16xi32>
      %parallel_loop3A_19 = arith.constant 26 : i32
      %parallel_loop3A_20 = vector.broadcast %parallel_loop3A_19 : i32 to vector<16xi32>
      %parallel_loop3A_21 = arith.select %parallel_loop3A_18, %parallel_loop3A_13, %parallel_loop3A_20 : vector<16xi1>, vector<16xi32>
      %parallel_loop3A_22 = arith.constant 16 : i32
      %parallel_loop3A_23 = vector.broadcast %parallel_loop3A_22 : i32 to vector<16xi32>
      %parallel_loop3A_24 = arith.cmpi slt, %parallel_loop3A_21, %parallel_loop3A_23 : vector<16xi32>
      %parallel_loop3A_25 = arith.constant 15 : i32
      %parallel_loop3A_26 = vector.broadcast %parallel_loop3A_25 : i32 to vector<16xi32>
      %parallel_loop3A_27 = arith.andi %parallel_loop3A_21, %parallel_loop3A_26 : vector<16xi32>
      %parallel_loop3A_28 = arith.constant 0 : i32
      %parallel_loop3A_29 = arith.index_cast %parallel_loop3A_28 : i32 to index
      %parallel_loop3A_30 = arith.constant 0 : index
      %parallel_loop3A_31 = tpu.vector_load %arg6[%parallel_loop3A_29, %parallel_loop3A_30] {strides = array<i32>} : memref<25x32xf32, #tpu.memory_space<vmem>>, vector<16xf32>,
      %parallel_loop3A_32 = vector.shape_cast %parallel_loop3A_27 : vector<16xi32> to vector<16x1xi32>
      %parallel_loop3A_33 = vector.shape_cast %parallel_loop3A_32 : vector<16x1xi32> to vector<16xi32>
      %parallel_loop3A_34 = tpu.dynamic_gather %parallel_loop3A_31[%parallel_loop3A_33] in [0] : vector<16xf32>, vector<16xi32> -> vector<16xf32>
      %parallel_loop3A_35 = arith.constant 0 : i32
      %parallel_loop3A_36 = arith.index_cast %parallel_loop3A_35 : i32 to index
      %parallel_loop3A_37 = arith.constant 16 : index
      %parallel_loop3A_38 = tpu.vector_load %arg6[%parallel_loop3A_36, %parallel_loop3A_37] {strides = array<i32>} : memref<25x32xf32, #tpu.memory_space<vmem>>, vector<16xf32>,
      %parallel_loop3A_39 = vector.shape_cast %parallel_loop3A_27 : vector<16xi32> to vector<16x1xi32>
      %parallel_loop3A_40 = vector.shape_cast %parallel_loop3A_39 : vector<16x1xi32> to vector<16xi32>
      %parallel_loop3A_41 = tpu.dynamic_gather %parallel_loop3A_38[%parallel_loop3A_40] in [0] : vector<16xf32>, vector<16xi32> -> vector<16xf32>
      %parallel_loop3A_42 = arith.select %parallel_loop3A_24, %parallel_loop3A_34, %parallel_loop3A_41 : vector<16xi1>, vector<16xf32>
      %parallel_loop3A_43 = arith.constant 0 : i32
      %parallel_loop3A_44 = arith.index_cast %parallel_loop3A_43 : i32 to index
      %parallel_loop3A_45 = arith.index_cast %parallel_loop3A_11 : i32 to index
      %parallel_loop3A_46 = tpu.vector_load %arg9[%parallel_loop3A_44, %parallel_loop3A_45] {strides = array<i32>} : memref<25x1024xf32, #tpu.memory_space<vmem>>, vector<16xf32>,
      tpu.vector_store %arg9[%parallel_loop3A_44, %parallel_loop3A_45], %parallel_loop3A_42 {strides = array<i32>} : memref<25x1024xf32, #tpu.memory_space<vmem>>, vector<16xf32>,
      %parallel_loop3A_47 = arith.constant 1 : i32
      %parallel_loop3A_48 = arith.index_cast %parallel_loop3A_47 : i32 to index
      %parallel_loop3A_49 = arith.constant 0 : index
      %parallel_loop3A_50 = tpu.vector_load %arg6[%parallel_loop3A_48, %parallel_loop3A_49] {strides = array<i32>} : memref<25x32xf32, #tpu.memory_space<vmem>>, vector<16xf32>,
      %parallel_loop3A_51 = vector.shape_cast %parallel_loop3A_27 : vector<16xi32> to vector<16x1xi32>
      %parallel_loop3A_52 = vector.shape_cast %parallel_loop3A_51 : vector<16x1xi32> to vector<16xi32>
      %parallel_loop3A_53 = tpu.dynamic_gather %parallel_loop3A_50[%parallel_loop3A_52] in [0] : vector<16xf32>, vector<16xi32> -> vector<16xf32>
      %parallel_loop3A_54 = arith.constant 1 : i32
      %parallel_loop3A_55 = arith.index_cast %parallel_loop3A_54 : i32 to index
      %parallel_loop3A_56 = arith.constant 16 : index
      %parallel_loop3A_57 = tpu.vector_load %arg6[%parallel_loop3A_55, %parallel_loop3A_56] {strides = array<i32>} : memref<25x32xf32, #tpu.memory_space<vmem>>, vector<16xf32>,
      %parallel_loop3A_58 = vector.shape_cast %parallel_loop3A_27 : vector<16xi32> to vector<16x1xi32>
      %parallel_loop3A_59 = vector.shape_cast %parallel_loop3A_58 : vector<16x1xi32> to vector<16xi32>
      %parallel_loop3A_60 = tpu.dynamic_gather %parallel_loop3A_57[%parallel_loop3A_59] in [0] : vector<16xf32>, vector<16xi32> -> vector<16xf32>
      %parallel_loop3A_61 = arith.select %parallel_loop3A_24, %parallel_loop3A_53, %parallel_loop3A_60 : vector<16xi1>, vector<16xf32>
      %parallel_loop3A_62 = arith.constant 1 : i32
      %parallel_loop3A_63 = arith.index_cast %parallel_loop3A_62 : i32 to index
      %parallel_loop3A_64 = arith.index_cast %parallel_loop3A_11 : i32 to index
      %parallel_loop3A_65 = tpu.vector_load %arg9[%parallel_loop3A_63, %parallel_loop3A_64] {strides = array<i32>} : memref<25x1024xf32, #tpu.memory_space<vmem>>, vector<16xf32>,
      tpu.vector_store %arg9[%parallel_loop3A_63, %parallel_loop3A_64], %parallel_loop3A_61 {strides = array<i32>} : memref<25x1024xf32, #tpu.memory_space<vmem>>, vector<16xf32>,
      %parallel_loop3A_66 = arith.constant 2 : i32
      %parallel_loop3A_67 = arith.index_cast %parallel_loop3A_66 : i32 to index
      %parallel_loop3A_68 = arith.constant 0 : index
      %parallel_loop3A_69 = tpu.vector_load %arg6[%parallel_loop3A_67, %parallel_loop3A_68] {strides = array<i32>} : memref<25x32xf32, #tpu.memory_space<vmem>>, vector<16xf32>,
      %parallel_loop3A_70 = vector.shape_cast %parallel_loop3A_27 : vector<16xi32> to vector<16x1xi32>
      %parallel_loop3A_71 = vector.shape_cast %parallel_loop3A_70 : vector<16x1xi32> to vector<16xi32>
      %parallel_loop3A_72 = tpu.dynamic_gather %parallel_loop3A_69[%parallel_loop3A_71] in [0] : vector<16xf32>, vector<16xi32> -> vector<16xf32>
      %parallel_loop3A_73 = arith.constant 2 : i32
      %parallel_loop3A_74 = arith.index_cast %parallel_loop3A_73 : i32 to index
      %parallel_loop3A_75 = arith.constant 16 : index
      %parallel_loop3A_76 = tpu.vector_load %arg6[%parallel_loop3A_74, %parallel_loop3A_75] {strides = array<i32>} : memref<25x32xf32, #tpu.memory_space<vmem>>, vector<16xf32>,
      %parallel_loop3A_77 = vector.shape_cast %parallel_loop3A_27 : vector<16xi32> to vector<16x1xi32>
      %parallel_loop3A_78 = vector.shape_cast %parallel_loop3A_77 : vector<16x1xi32> to vector<16xi32>
      %parallel_loop3A_79 = tpu.dynamic_gather %parallel_loop3A_76[%parallel_loop3A_78] in [0] : vector<16xf32>, vector<16xi32> -> vector<16xf32>
      %parallel_loop3A_80 = arith.select %parallel_loop3A_24, %parallel_loop3A_72, %parallel_loop3A_79 : vector<16xi1>, vector<16xf32>
      %parallel_loop3A_81 = arith.constant 2 : i32
      %parallel_loop3A_82 = arith.index_cast %parallel_loop3A_81 : i32 to index
      %parallel_loop3A_83 = arith.index_cast %parallel_loop3A_11 : i32 to index
      %parallel_loop3A_84 = tpu.vector_load %arg9[%parallel_loop3A_82, %parallel_loop3A_83] {strides = array<i32>} : memref<25x1024xf32, #tpu.memory_space<vmem>>, vector<16xf32>,
      tpu.vector_store %arg9[%parallel_loop3A_82, %parallel_loop3A_83], %parallel_loop3A_80 {strides = array<i32>} : memref<25x1024xf32, #tpu.memory_space<vmem>>, vector<16xf32>,
      %parallel_loop3A_85 = arith.constant 3 : i32
      %parallel_loop3A_86 = arith.index_cast %parallel_loop3A_85 : i32 to index
      %parallel_loop3A_87 = arith.constant 0 : index
      %parallel_loop3A_88 = tpu.vector_load %arg6[%parallel_loop3A_86, %parallel_loop3A_87] {strides = array<i32>} : memref<25x32xf32, #tpu.memory_space<vmem>>, vector<16xf32>,
      %parallel_loop3A_89 = vector.shape_cast %parallel_loop3A_27 : vector<16xi32> to vector<16x1xi32>
      %parallel_loop3A_90 = vector.shape_cast %parallel_loop3A_89 : vector<16x1xi32> to vector<16xi32>
      %parallel_loop3A_91 = tpu.dynamic_gather %parallel_loop3A_88[%parallel_loop3A_90] in [0] : vector<16xf32>, vector<16xi32> -> vector<16xf32>
      %parallel_loop3A_92 = arith.constant 3 : i32
      %parallel_loop3A_93 = arith.index_cast %parallel_loop3A_92 : i32 to index
      %parallel_loop3A_94 = arith.constant 16 : index
      %parallel_loop3A_95 = tpu.vector_load %arg6[%parallel_loop3A_93, %parallel_loop3A_94] {strides = array<i32>} : memref<25x32xf32, #tpu.memory_space<vmem>>, vector<16xf32>,
      %parallel_loop3A_96 = vector.shape_cast %parallel_loop3A_27 : vector<16xi32> to vector<16x1xi32>
      %parallel_loop3A_97 = vector.shape_cast %parallel_loop3A_96 : vector<16x1xi32> to vector<16xi32>
      %parallel_loop3A_98 = tpu.dynamic_gather %parallel_loop3A_95[%parallel_loop3A_97] in [0] : vector<16xf32>, vector<16xi32> -> vector<16xf32>
      %parallel_loop3A_99 = arith.select %parallel_loop3A_24, %parallel_loop3A_91, %parallel_loop3A_98 : vector<16xi1>, vector<16xf32>
      %parallel_loop3A_100 = arith.constant 3 : i32
      %parallel_loop3A_101 = arith.index_cast %parallel_loop3A_100 : i32 to index
      %parallel_loop3A_102 = arith.index_cast %parallel_loop3A_11 : i32 to index
      %parallel_loop3A_103 = tpu.vector_load %arg9[%parallel_loop3A_101, %parallel_loop3A_102] {strides = array<i32>} : memref<25x1024xf32, #tpu.memory_space<vmem>>, vector<16xf32>,
      tpu.vector_store %arg9[%parallel_loop3A_101, %parallel_loop3A_102], %parallel_loop3A_99 {strides = array<i32>} : memref<25x1024xf32, #tpu.memory_space<vmem>>, vector<16xf32>,
      %parallel_loop3A_104 = arith.constant 4 : i32
      %parallel_loop3A_105 = arith.index_cast %parallel_loop3A_104 : i32 to index
      %parallel_loop3A_106 = arith.constant 0 : index
      %parallel_loop3A_107 = tpu.vector_load %arg6[%parallel_loop3A_105, %parallel_loop3A_106] {strides = array<i32>} : memref<25x32xf32, #tpu.memory_space<vmem>>, vector<16xf32>,
      %parallel_loop3A_108 = vector.shape_cast %parallel_loop3A_27 : vector<16xi32> to vector<16x1xi32>
      %parallel_loop3A_109 = vector.shape_cast %parallel_loop3A_108 : vector<16x1xi32> to vector<16xi32>
      %parallel_loop3A_110 = tpu.dynamic_gather %parallel_loop3A_107[%parallel_loop3A_109] in [0] : vector<16xf32>, vector<16xi32> -> vector<16xf32>
      %parallel_loop3A_111 = arith.constant 4 : i32
      %parallel_loop3A_112 = arith.index_cast %parallel_loop3A_111 : i32 to index
      %parallel_loop3A_113 = arith.constant 16 : index
      %parallel_loop3A_114 = tpu.vector_load %arg6[%parallel_loop3A_112, %parallel_loop3A_113] {strides = array<i32>} : memref<25x32xf32, #tpu.memory_space<vmem>>, vector<16xf32>,
      %parallel_loop3A_115 = vector.shape_cast %parallel_loop3A_27 : vector<16xi32> to vector<16x1xi32>
      %parallel_loop3A_116 = vector.shape_cast %parallel_loop3A_115 : vector<16x1xi32> to vector<16xi32>
      %parallel_loop3A_117 = tpu.dynamic_gather %parallel_loop3A_114[%parallel_loop3A_116] in [0] : vector<16xf32>, vector<16xi32> -> vector<16xf32>
      %parallel_loop3A_118 = arith.select %parallel_loop3A_24, %parallel_loop3A_110, %parallel_loop3A_117 : vector<16xi1>, vector<16xf32>
      %parallel_loop3A_119 = arith.constant 4 : i32
      %parallel_loop3A_120 = arith.index_cast %parallel_loop3A_119 : i32 to index
      %parallel_loop3A_121 = arith.index_cast %parallel_loop3A_11 : i32 to index
      %parallel_loop3A_122 = tpu.vector_load %arg9[%parallel_loop3A_120, %parallel_loop3A_121] {strides = array<i32>} : memref<25x1024xf32, #tpu.memory_space<vmem>>, vector<16xf32>,
      tpu.vector_store %arg9[%parallel_loop3A_120, %parallel_loop3A_121], %parallel_loop3A_118 {strides = array<i32>} : memref<25x1024xf32, #tpu.memory_space<vmem>>, vector<16xf32>,
      %parallel_loop3A_123 = arith.constant 5 : i32
      %parallel_loop3A_124 = arith.index_cast %parallel_loop3A_123 : i32 to index
      %parallel_loop3A_125 = arith.constant 0 : index
      %parallel_loop3A_126 = tpu.vector_load %arg6[%parallel_loop3A_124, %parallel_loop3A_125] {strides = array<i32>} : memref<25x32xf32, #tpu.memory_space<vmem>>, vector<16xf32>,
      %parallel_loop3A_127 = vector.shape_cast %parallel_loop3A_27 : vector<16xi32> to vector<16x1xi32>
      %parallel_loop3A_128 = vector.shape_cast %parallel_loop3A_127 : vector<16x1xi32> to vector<16xi32>
      %parallel_loop3A_129 = tpu.dynamic_gather %parallel_loop3A_126[%parallel_loop3A_128] in [0] : vector<16xf32>, vector<16xi32> -> vector<16xf32>
      %parallel_loop3A_130 = arith.constant 5 : i32
      %parallel_loop3A_131 = arith.index_cast %parallel_loop3A_130 : i32 to index
      %parallel_loop3A_132 = arith.constant 16 : index
      %parallel_loop3A_133 = tpu.vector_load %arg6[%parallel_loop3A_131, %parallel_loop3A_132] {strides = array<i32>} : memref<25x32xf32, #tpu.memory_space<vmem>>, vector<16xf32>,
      %parallel_loop3A_134 = vector.shape_cast %parallel_loop3A_27 : vector<16xi32> to vector<16x1xi32>
      %parallel_loop3A_135 = vector.shape_cast %parallel_loop3A_134 : vector<16x1xi32> to vector<16xi32>
      %parallel_loop3A_136 = tpu.dynamic_gather %parallel_loop3A_133[%parallel_loop3A_135] in [0] : vector<16xf32>, vector<16xi32> -> vector<16xf32>
      %parallel_loop3A_137 = arith.select %parallel_loop3A_24, %parallel_loop3A_129, %parallel_loop3A_136 : vector<16xi1>, vector<16xf32>
      %parallel_loop3A_138 = arith.constant 5 : i32
      %parallel_loop3A_139 = arith.index_cast %parallel_loop3A_138 : i32 to index
      %parallel_loop3A_140 = arith.index_cast %parallel_loop3A_11 : i32 to index
      %parallel_loop3A_141 = tpu.vector_load %arg9[%parallel_loop3A_139, %parallel_loop3A_140] {strides = array<i32>} : memref<25x1024xf32, #tpu.memory_space<vmem>>, vector<16xf32>,
      tpu.vector_store %arg9[%parallel_loop3A_139, %parallel_loop3A_140], %parallel_loop3A_137 {strides = array<i32>} : memref<25x1024xf32, #tpu.memory_space<vmem>>, vector<16xf32>,
      %parallel_loop3A_142 = arith.constant 6 : i32
      %parallel_loop3A_143 = arith.index_cast %parallel_loop3A_142 : i32 to index
      %parallel_loop3A_144 = arith.constant 0 : index
      %parallel_loop3A_145 = tpu.vector_load %arg6[%parallel_loop3A_143, %parallel_loop3A_144] {strides = array<i32>} : memref<25x32xf32, #tpu.memory_space<vmem>>, vector<16xf32>,
      %parallel_loop3A_146 = vector.shape_cast %parallel_loop3A_27 : vector<16xi32> to vector<16x1xi32>
      %parallel_loop3A_147 = vector.shape_cast %parallel_loop3A_146 : vector<16x1xi32> to vector<16xi32>
      %parallel_loop3A_148 = tpu.dynamic_gather %parallel_loop3A_145[%parallel_loop3A_147] in [0] : vector<16xf32>, vector<16xi32> -> vector<16xf32>
      %parallel_loop3A_149 = arith.constant 6 : i32
      %parallel_loop3A_150 = arith.index_cast %parallel_loop3A_149 : i32 to index
      %parallel_loop3A_151 = arith.constant 16 : index
      %parallel_loop3A_152 = tpu.vector_load %arg6[%parallel_loop3A_150, %parallel_loop3A_151] {strides = array<i32>} : memref<25x32xf32, #tpu.memory_space<vmem>>, vector<16xf32>,
      %parallel_loop3A_153 = vector.shape_cast %parallel_loop3A_27 : vector<16xi32> to vector<16x1xi32>
      %parallel_loop3A_154 = vector.shape_cast %parallel_loop3A_153 : vector<16x1xi32> to vector<16xi32>
      %parallel_loop3A_155 = tpu.dynamic_gather %parallel_loop3A_152[%parallel_loop3A_154] in [0] : vector<16xf32>, vector<16xi32> -> vector<16xf32>
      %parallel_loop3A_156 = arith.select %parallel_loop3A_24, %parallel_loop3A_148, %parallel_loop3A_155 : vector<16xi1>, vector<16xf32>
      %parallel_loop3A_157 = arith.constant 6 : i32
      %parallel_loop3A_158 = arith.index_cast %parallel_loop3A_157 : i32 to index
      %parallel_loop3A_159 = arith.index_cast %parallel_loop3A_11 : i32 to index
      %parallel_loop3A_160 = tpu.vector_load %arg9[%parallel_loop3A_158, %parallel_loop3A_159] {strides = array<i32>} : memref<25x1024xf32, #tpu.memory_space<vmem>>, vector<16xf32>,
      tpu.vector_store %arg9[%parallel_loop3A_158, %parallel_loop3A_159], %parallel_loop3A_156 {strides = array<i32>} : memref<25x1024xf32, #tpu.memory_space<vmem>>, vector<16xf32>,
      %parallel_loop3A_161 = arith.constant 7 : i32
      %parallel_loop3A_162 = arith.index_cast %parallel_loop3A_161 : i32 to index
      %parallel_loop3A_163 = arith.constant 0 : index
      %parallel_loop3A_164 = tpu.vector_load %arg6[%parallel_loop3A_162, %parallel_loop3A_163] {strides = array<i32>} : memref<25x32xf32, #tpu.memory_space<vmem>>, vector<16xf32>,
      %parallel_loop3A_165 = vector.shape_cast %parallel_loop3A_27 : vector<16xi32> to vector<16x1xi32>
      %parallel_loop3A_166 = vector.shape_cast %parallel_loop3A_165 : vector<16x1xi32> to vector<16xi32>
      %parallel_loop3A_167 = tpu.dynamic_gather %parallel_loop3A_164[%parallel_loop3A_166] in [0] : vector<16xf32>, vector<16xi32> -> vector<16xf32>
      %parallel_loop3A_168 = arith.constant 7 : i32
      %parallel_loop3A_169 = arith.index_cast %parallel_loop3A_168 : i32 to index
      %parallel_loop3A_170 = arith.constant 16 : index
      %parallel_loop3A_171 = tpu.vector_load %arg6[%parallel_loop3A_169, %parallel_loop3A_170] {strides = array<i32>} : memref<25x32xf32, #tpu.memory_space<vmem>>, vector<16xf32>,
      %parallel_loop3A_172 = vector.shape_cast %parallel_loop3A_27 : vector<16xi32> to vector<16x1xi32>
      %parallel_loop3A_173 = vector.shape_cast %parallel_loop3A_172 : vector<16x1xi32> to vector<16xi32>
      %parallel_loop3A_174 = tpu.dynamic_gather %parallel_loop3A_171[%parallel_loop3A_173] in [0] : vector<16xf32>, vector<16xi32> -> vector<16xf32>
      %parallel_loop3A_175 = arith.select %parallel_loop3A_24, %parallel_loop3A_167, %parallel_loop3A_174 : vector<16xi1>, vector<16xf32>
      %parallel_loop3A_176 = arith.constant 7 : i32
      %parallel_loop3A_177 = arith.index_cast %parallel_loop3A_176 : i32 to index
      %parallel_loop3A_178 = arith.index_cast %parallel_loop3A_11 : i32 to index
      %parallel_loop3A_179 = tpu.vector_load %arg9[%parallel_loop3A_177, %parallel_loop3A_178] {strides = array<i32>} : memref<25x1024xf32, #tpu.memory_space<vmem>>, vector<16xf32>,
      tpu.vector_store %arg9[%parallel_loop3A_177, %parallel_loop3A_178], %parallel_loop3A_175 {strides = array<i32>} : memref<25x1024xf32, #tpu.memory_space<vmem>>, vector<16xf32>,
      %parallel_loop3A_180 = arith.constant 8 : i32
      %parallel_loop3A_181 = arith.index_cast %parallel_loop3A_180 : i32 to index
      %parallel_loop3A_182 = arith.constant 0 : index
      %parallel_loop3A_183 = tpu.vector_load %arg6[%parallel_loop3A_181, %parallel_loop3A_182] {strides = array<i32>} : memref<25x32xf32, #tpu.memory_space<vmem>>, vector<16xf32>,
      %parallel_loop3A_184 = vector.shape_cast %parallel_loop3A_27 : vector<16xi32> to vector<16x1xi32>
      %parallel_loop3A_185 = vector.shape_cast %parallel_loop3A_184 : vector<16x1xi32> to vector<16xi32>
      %parallel_loop3A_186 = tpu.dynamic_gather %parallel_loop3A_183[%parallel_loop3A_185] in [0] : vector<16xf32>, vector<16xi32> -> vector<16xf32>
      %parallel_loop3A_187 = arith.constant 8 : i32
      %parallel_loop3A_188 = arith.index_cast %parallel_loop3A_187 : i32 to index
      %parallel_loop3A_189 = arith.constant 16 : index
      %parallel_loop3A_190 = tpu.vector_load %arg6[%parallel_loop3A_188, %parallel_loop3A_189] {strides = array<i32>} : memref<25x32xf32, #tpu.memory_space<vmem>>, vector<16xf32>,
      %parallel_loop3A_191 = vector.shape_cast %parallel_loop3A_27 : vector<16xi32> to vector<16x1xi32>
      %parallel_loop3A_192 = vector.shape_cast %parallel_loop3A_191 : vector<16x1xi32> to vector<16xi32>
      %parallel_loop3A_193 = tpu.dynamic_gather %parallel_loop3A_190[%parallel_loop3A_192] in [0] : vector<16xf32>, vector<16xi32> -> vector<16xf32>
      %parallel_loop3A_194 = arith.select %parallel_loop3A_24, %parallel_loop3A_186, %parallel_loop3A_193 : vector<16xi1>, vector<16xf32>
      %parallel_loop3A_195 = arith.constant 8 : i32
      %parallel_loop3A_196 = arith.index_cast %parallel_loop3A_195 : i32 to index
      %parallel_loop3A_197 = arith.index_cast %parallel_loop3A_11 : i32 to index
      %parallel_loop3A_198 = tpu.vector_load %arg9[%parallel_loop3A_196, %parallel_loop3A_197] {strides = array<i32>} : memref<25x1024xf32, #tpu.memory_space<vmem>>, vector<16xf32>,
      tpu.vector_store %arg9[%parallel_loop3A_196, %parallel_loop3A_197], %parallel_loop3A_194 {strides = array<i32>} : memref<25x1024xf32, #tpu.memory_space<vmem>>, vector<16xf32>,
      %parallel_loop3A_199 = arith.constant 9 : i32
      %parallel_loop3A_200 = arith.index_cast %parallel_loop3A_199 : i32 to index
      %parallel_loop3A_201 = arith.constant 0 : index
      %parallel_loop3A_202 = tpu.vector_load %arg6[%parallel_loop3A_200, %parallel_loop3A_201] {strides = array<i32>} : memref<25x32xf32, #tpu.memory_space<vmem>>, vector<16xf32>,
      %parallel_loop3A_203 = vector.shape_cast %parallel_loop3A_27 : vector<16xi32> to vector<16x1xi32>
      %parallel_loop3A_204 = vector.shape_cast %parallel_loop3A_203 : vector<16x1xi32> to vector<16xi32>
      %parallel_loop3A_205 = tpu.dynamic_gather %parallel_loop3A_202[%parallel_loop3A_204] in [0] : vector<16xf32>, vector<16xi32> -> vector<16xf32>
      %parallel_loop3A_206 = arith.constant 9 : i32
      %parallel_loop3A_207 = arith.index_cast %parallel_loop3A_206 : i32 to index
      %parallel_loop3A_208 = arith.constant 16 : index
      %parallel_loop3A_209 = tpu.vector_load %arg6[%parallel_loop3A_207, %parallel_loop3A_208] {strides = array<i32>} : memref<25x32xf32, #tpu.memory_space<vmem>>, vector<16xf32>,
      %parallel_loop3A_210 = vector.shape_cast %parallel_loop3A_27 : vector<16xi32> to vector<16x1xi32>
      %parallel_loop3A_211 = vector.shape_cast %parallel_loop3A_210 : vector<16x1xi32> to vector<16xi32>
      %parallel_loop3A_212 = tpu.dynamic_gather %parallel_loop3A_209[%parallel_loop3A_211] in [0] : vector<16xf32>, vector<16xi32> -> vector<16xf32>
      %parallel_loop3A_213 = arith.select %parallel_loop3A_24, %parallel_loop3A_205, %parallel_loop3A_212 : vector<16xi1>, vector<16xf32>
      %parallel_loop3A_214 = arith.constant 9 : i32
      %parallel_loop3A_215 = arith.index_cast %parallel_loop3A_214 : i32 to index
      %parallel_loop3A_216 = arith.index_cast %parallel_loop3A_11 : i32 to index
      %parallel_loop3A_217 = tpu.vector_load %arg9[%parallel_loop3A_215, %parallel_loop3A_216] {strides = array<i32>} : memref<25x1024xf32, #tpu.memory_space<vmem>>, vector<16xf32>,
      tpu.vector_store %arg9[%parallel_loop3A_215, %parallel_loop3A_216], %parallel_loop3A_213 {strides = array<i32>} : memref<25x1024xf32, #tpu.memory_space<vmem>>, vector<16xf32>,
      %parallel_loop3A_218 = arith.constant 10 : i32
      %parallel_loop3A_219 = arith.index_cast %parallel_loop3A_218 : i32 to index
      %parallel_loop3A_220 = arith.constant 0 : index
      %parallel_loop3A_221 = tpu.vector_load %arg6[%parallel_loop3A_219, %parallel_loop3A_220] {strides = array<i32>} : memref<25x32xf32, #tpu.memory_space<vmem>>, vector<16xf32>,
      %parallel_loop3A_222 = vector.shape_cast %parallel_loop3A_27 : vector<16xi32> to vector<16x1xi32>
      %parallel_loop3A_223 = vector.shape_cast %parallel_loop3A_222 : vector<16x1xi32> to vector<16xi32>
      %parallel_loop3A_224 = tpu.dynamic_gather %parallel_loop3A_221[%parallel_loop3A_223] in [0] : vector<16xf32>, vector<16xi32> -> vector<16xf32>
      %parallel_loop3A_225 = arith.constant 10 : i32
      %parallel_loop3A_226 = arith.index_cast %parallel_loop3A_225 : i32 to index
      %parallel_loop3A_227 = arith.constant 16 : index
      %parallel_loop3A_228 = tpu.vector_load %arg6[%parallel_loop3A_226, %parallel_loop3A_227] {strides = array<i32>} : memref<25x32xf32, #tpu.memory_space<vmem>>, vector<16xf32>,
      %parallel_loop3A_229 = vector.shape_cast %parallel_loop3A_27 : vector<16xi32> to vector<16x1xi32>
      %parallel_loop3A_230 = vector.shape_cast %parallel_loop3A_229 : vector<16x1xi32> to vector<16xi32>
      %parallel_loop3A_231 = tpu.dynamic_gather %parallel_loop3A_228[%parallel_loop3A_230] in [0] : vector<16xf32>, vector<16xi32> -> vector<16xf32>
      %parallel_loop3A_232 = arith.select %parallel_loop3A_24, %parallel_loop3A_224, %parallel_loop3A_231 : vector<16xi1>, vector<16xf32>
      %parallel_loop3A_233 = arith.constant 10 : i32
      %parallel_loop3A_234 = arith.index_cast %parallel_loop3A_233 : i32 to index
      %parallel_loop3A_235 = arith.index_cast %parallel_loop3A_11 : i32 to index
      %parallel_loop3A_236 = tpu.vector_load %arg9[%parallel_loop3A_234, %parallel_loop3A_235] {strides = array<i32>} : memref<25x1024xf32, #tpu.memory_space<vmem>>, vector<16xf32>,
      tpu.vector_store %arg9[%parallel_loop3A_234, %parallel_loop3A_235], %parallel_loop3A_232 {strides = array<i32>} : memref<25x1024xf32, #tpu.memory_space<vmem>>, vector<16xf32>,
      %parallel_loop3A_237 = arith.constant 11 : i32
      %parallel_loop3A_238 = arith.index_cast %parallel_loop3A_237 : i32 to index
      %parallel_loop3A_239 = arith.constant 0 : index
      %parallel_loop3A_240 = tpu.vector_load %arg6[%parallel_loop3A_238, %parallel_loop3A_239] {strides = array<i32>} : memref<25x32xf32, #tpu.memory_space<vmem>>, vector<16xf32>,
      %parallel_loop3A_241 = vector.shape_cast %parallel_loop3A_27 : vector<16xi32> to vector<16x1xi32>
      %parallel_loop3A_242 = vector.shape_cast %parallel_loop3A_241 : vector<16x1xi32> to vector<16xi32>
      %parallel_loop3A_243 = tpu.dynamic_gather %parallel_loop3A_240[%parallel_loop3A_242] in [0] : vector<16xf32>, vector<16xi32> -> vector<16xf32>
      %parallel_loop3A_244 = arith.constant 11 : i32
      %parallel_loop3A_245 = arith.index_cast %parallel_loop3A_244 : i32 to index
      %parallel_loop3A_246 = arith.constant 16 : index
      %parallel_loop3A_247 = tpu.vector_load %arg6[%parallel_loop3A_245, %parallel_loop3A_246] {strides = array<i32>} : memref<25x32xf32, #tpu.memory_space<vmem>>, vector<16xf32>,
      %parallel_loop3A_248 = vector.shape_cast %parallel_loop3A_27 : vector<16xi32> to vector<16x1xi32>
      %parallel_loop3A_249 = vector.shape_cast %parallel_loop3A_248 : vector<16x1xi32> to vector<16xi32>
      %parallel_loop3A_250 = tpu.dynamic_gather %parallel_loop3A_247[%parallel_loop3A_249] in [0] : vector<16xf32>, vector<16xi32> -> vector<16xf32>
      %parallel_loop3A_251 = arith.select %parallel_loop3A_24, %parallel_loop3A_243, %parallel_loop3A_250 : vector<16xi1>, vector<16xf32>
      %parallel_loop3A_252 = arith.constant 11 : i32
      %parallel_loop3A_253 = arith.index_cast %parallel_loop3A_252 : i32 to index
      %parallel_loop3A_254 = arith.index_cast %parallel_loop3A_11 : i32 to index
      %parallel_loop3A_255 = tpu.vector_load %arg9[%parallel_loop3A_253, %parallel_loop3A_254] {strides = array<i32>} : memref<25x1024xf32, #tpu.memory_space<vmem>>, vector<16xf32>,
      tpu.vector_store %arg9[%parallel_loop3A_253, %parallel_loop3A_254], %parallel_loop3A_251 {strides = array<i32>} : memref<25x1024xf32, #tpu.memory_space<vmem>>, vector<16xf32>,
      %parallel_loop3A_256 = arith.constant 12 : i32
      %parallel_loop3A_257 = arith.index_cast %parallel_loop3A_256 : i32 to index
      %parallel_loop3A_258 = arith.constant 0 : index
      %parallel_loop3A_259 = tpu.vector_load %arg6[%parallel_loop3A_257, %parallel_loop3A_258] {strides = array<i32>} : memref<25x32xf32, #tpu.memory_space<vmem>>, vector<16xf32>,
      %parallel_loop3A_260 = vector.shape_cast %parallel_loop3A_27 : vector<16xi32> to vector<16x1xi32>
      %parallel_loop3A_261 = vector.shape_cast %parallel_loop3A_260 : vector<16x1xi32> to vector<16xi32>
      %parallel_loop3A_262 = tpu.dynamic_gather %parallel_loop3A_259[%parallel_loop3A_261] in [0] : vector<16xf32>, vector<16xi32> -> vector<16xf32>
      %parallel_loop3A_263 = arith.constant 12 : i32
      %parallel_loop3A_264 = arith.index_cast %parallel_loop3A_263 : i32 to index
      %parallel_loop3A_265 = arith.constant 16 : index
      %parallel_loop3A_266 = tpu.vector_load %arg6[%parallel_loop3A_264, %parallel_loop3A_265] {strides = array<i32>} : memref<25x32xf32, #tpu.memory_space<vmem>>, vector<16xf32>,
      %parallel_loop3A_267 = vector.shape_cast %parallel_loop3A_27 : vector<16xi32> to vector<16x1xi32>
      %parallel_loop3A_268 = vector.shape_cast %parallel_loop3A_267 : vector<16x1xi32> to vector<16xi32>
      %parallel_loop3A_269 = tpu.dynamic_gather %parallel_loop3A_266[%parallel_loop3A_268] in [0] : vector<16xf32>, vector<16xi32> -> vector<16xf32>
      %parallel_loop3A_270 = arith.select %parallel_loop3A_24, %parallel_loop3A_262, %parallel_loop3A_269 : vector<16xi1>, vector<16xf32>
      %parallel_loop3A_271 = arith.constant 12 : i32
      %parallel_loop3A_272 = arith.index_cast %parallel_loop3A_271 : i32 to index
      %parallel_loop3A_273 = arith.index_cast %parallel_loop3A_11 : i32 to index
      %parallel_loop3A_274 = tpu.vector_load %arg9[%parallel_loop3A_272, %parallel_loop3A_273] {strides = array<i32>} : memref<25x1024xf32, #tpu.memory_space<vmem>>, vector<16xf32>,
      tpu.vector_store %arg9[%parallel_loop3A_272, %parallel_loop3A_273], %parallel_loop3A_270 {strides = array<i32>} : memref<25x1024xf32, #tpu.memory_space<vmem>>, vector<16xf32>,
      %parallel_loop3A_275 = arith.constant 13 : i32
      %parallel_loop3A_276 = arith.index_cast %parallel_loop3A_275 : i32 to index
      %parallel_loop3A_277 = arith.constant 0 : index
      %parallel_loop3A_278 = tpu.vector_load %arg6[%parallel_loop3A_276, %parallel_loop3A_277] {strides = array<i32>} : memref<25x32xf32, #tpu.memory_space<vmem>>, vector<16xf32>,
      %parallel_loop3A_279 = vector.shape_cast %parallel_loop3A_27 : vector<16xi32> to vector<16x1xi32>
      %parallel_loop3A_280 = vector.shape_cast %parallel_loop3A_279 : vector<16x1xi32> to vector<16xi32>
      %parallel_loop3A_281 = tpu.dynamic_gather %parallel_loop3A_278[%parallel_loop3A_280] in [0] : vector<16xf32>, vector<16xi32> -> vector<16xf32>
      %parallel_loop3A_282 = arith.constant 13 : i32
      %parallel_loop3A_283 = arith.index_cast %parallel_loop3A_282 : i32 to index
      %parallel_loop3A_284 = arith.constant 16 : index
      %parallel_loop3A_285 = tpu.vector_load %arg6[%parallel_loop3A_283, %parallel_loop3A_284] {strides = array<i32>} : memref<25x32xf32, #tpu.memory_space<vmem>>, vector<16xf32>,
      %parallel_loop3A_286 = vector.shape_cast %parallel_loop3A_27 : vector<16xi32> to vector<16x1xi32>
      %parallel_loop3A_287 = vector.shape_cast %parallel_loop3A_286 : vector<16x1xi32> to vector<16xi32>
      %parallel_loop3A_288 = tpu.dynamic_gather %parallel_loop3A_285[%parallel_loop3A_287] in [0] : vector<16xf32>, vector<16xi32> -> vector<16xf32>
      %parallel_loop3A_289 = arith.select %parallel_loop3A_24, %parallel_loop3A_281, %parallel_loop3A_288 : vector<16xi1>, vector<16xf32>
      %parallel_loop3A_290 = arith.constant 13 : i32
      %parallel_loop3A_291 = arith.index_cast %parallel_loop3A_290 : i32 to index
      %parallel_loop3A_292 = arith.index_cast %parallel_loop3A_11 : i32 to index
      %parallel_loop3A_293 = tpu.vector_load %arg9[%parallel_loop3A_291, %parallel_loop3A_292] {strides = array<i32>} : memref<25x1024xf32, #tpu.memory_space<vmem>>, vector<16xf32>,
      tpu.vector_store %arg9[%parallel_loop3A_291, %parallel_loop3A_292], %parallel_loop3A_289 {strides = array<i32>} : memref<25x1024xf32, #tpu.memory_space<vmem>>, vector<16xf32>,
      %parallel_loop3A_294 = arith.constant 14 : i32
      %parallel_loop3A_295 = arith.index_cast %parallel_loop3A_294 : i32 to index
      %parallel_loop3A_296 = arith.constant 0 : index
      %parallel_loop3A_297 = tpu.vector_load %arg6[%parallel_loop3A_295, %parallel_loop3A_296] {strides = array<i32>} : memref<25x32xf32, #tpu.memory_space<vmem>>, vector<16xf32>,
      %parallel_loop3A_298 = vector.shape_cast %parallel_loop3A_27 : vector<16xi32> to vector<16x1xi32>
      %parallel_loop3A_299 = vector.shape_cast %parallel_loop3A_298 : vector<16x1xi32> to vector<16xi32>
      %parallel_loop3A_300 = tpu.dynamic_gather %parallel_loop3A_297[%parallel_loop3A_299] in [0] : vector<16xf32>, vector<16xi32> -> vector<16xf32>
      %parallel_loop3A_301 = arith.constant 14 : i32
      %parallel_loop3A_302 = arith.index_cast %parallel_loop3A_301 : i32 to index
      %parallel_loop3A_303 = arith.constant 16 : index
      %parallel_loop3A_304 = tpu.vector_load %arg6[%parallel_loop3A_302, %parallel_loop3A_303] {strides = array<i32>} : memref<25x32xf32, #tpu.memory_space<vmem>>, vector<16xf32>,
      %parallel_loop3A_305 = vector.shape_cast %parallel_loop3A_27 : vector<16xi32> to vector<16x1xi32>
      %parallel_loop3A_306 = vector.shape_cast %parallel_loop3A_305 : vector<16x1xi32> to vector<16xi32>
      %parallel_loop3A_307 = tpu.dynamic_gather %parallel_loop3A_304[%parallel_loop3A_306] in [0] : vector<16xf32>, vector<16xi32> -> vector<16xf32>
      %parallel_loop3A_308 = arith.select %parallel_loop3A_24, %parallel_loop3A_300, %parallel_loop3A_307 : vector<16xi1>, vector<16xf32>
      %parallel_loop3A_309 = arith.constant 14 : i32
      %parallel_loop3A_310 = arith.index_cast %parallel_loop3A_309 : i32 to index
      %parallel_loop3A_311 = arith.index_cast %parallel_loop3A_11 : i32 to index
      %parallel_loop3A_312 = tpu.vector_load %arg9[%parallel_loop3A_310, %parallel_loop3A_311] {strides = array<i32>} : memref<25x1024xf32, #tpu.memory_space<vmem>>, vector<16xf32>,
      tpu.vector_store %arg9[%parallel_loop3A_310, %parallel_loop3A_311], %parallel_loop3A_308 {strides = array<i32>} : memref<25x1024xf32, #tpu.memory_space<vmem>>, vector<16xf32>,
      %parallel_loop3A_313 = arith.constant 15 : i32
      %parallel_loop3A_314 = arith.index_cast %parallel_loop3A_313 : i32 to index
      %parallel_loop3A_315 = arith.constant 0 : index
      %parallel_loop3A_316 = tpu.vector_load %arg6[%parallel_loop3A_314, %parallel_loop3A_315] {strides = array<i32>} : memref<25x32xf32, #tpu.memory_space<vmem>>, vector<16xf32>,
      %parallel_loop3A_317 = vector.shape_cast %parallel_loop3A_27 : vector<16xi32> to vector<16x1xi32>
      %parallel_loop3A_318 = vector.shape_cast %parallel_loop3A_317 : vector<16x1xi32> to vector<16xi32>
      %parallel_loop3A_319 = tpu.dynamic_gather %parallel_loop3A_316[%parallel_loop3A_318] in [0] : vector<16xf32>, vector<16xi32> -> vector<16xf32>
      %parallel_loop3A_320 = arith.constant 15 : i32
      %parallel_loop3A_321 = arith.index_cast %parallel_loop3A_320 : i32 to index
      %parallel_loop3A_322 = arith.constant 16 : index
      %parallel_loop3A_323 = tpu.vector_load %arg6[%parallel_loop3A_321, %parallel_loop3A_322] {strides = array<i32>} : memref<25x32xf32, #tpu.memory_space<vmem>>, vector<16xf32>,
      %parallel_loop3A_324 = vector.shape_cast %parallel_loop3A_27 : vector<16xi32> to vector<16x1xi32>
      %parallel_loop3A_325 = vector.shape_cast %parallel_loop3A_324 : vector<16x1xi32> to vector<16xi32>
      %parallel_loop3A_326 = tpu.dynamic_gather %parallel_loop3A_323[%parallel_loop3A_325] in [0] : vector<16xf32>, vector<16xi32> -> vector<16xf32>
      %parallel_loop3A_327 = arith.select %parallel_loop3A_24, %parallel_loop3A_319, %parallel_loop3A_326 : vector<16xi1>, vector<16xf32>
      %parallel_loop3A_328 = arith.constant 15 : i32
      %parallel_loop3A_329 = arith.index_cast %parallel_loop3A_328 : i32 to index
      %parallel_loop3A_330 = arith.index_cast %parallel_loop3A_11 : i32 to index
      %parallel_loop3A_331 = tpu.vector_load %arg9[%parallel_loop3A_329, %parallel_loop3A_330] {strides = array<i32>} : memref<25x1024xf32, #tpu.memory_space<vmem>>, vector<16xf32>,
      tpu.vector_store %arg9[%parallel_loop3A_329, %parallel_loop3A_330], %parallel_loop3A_327 {strides = array<i32>} : memref<25x1024xf32, #tpu.memory_space<vmem>>, vector<16xf32>,
      %parallel_loop3A_332 = arith.constant 16 : i32
      %parallel_loop3A_333 = arith.index_cast %parallel_loop3A_332 : i32 to index
      %parallel_loop3A_334 = arith.constant 0 : index
      %parallel_loop3A_335 = tpu.vector_load %arg6[%parallel_loop3A_333, %parallel_loop3A_334] {strides = array<i32>} : memref<25x32xf32, #tpu.memory_space<vmem>>, vector<16xf32>,
      %parallel_loop3A_336 = vector.shape_cast %parallel_loop3A_27 : vector<16xi32> to vector<16x1xi32>
      %parallel_loop3A_337 = vector.shape_cast %parallel_loop3A_336 : vector<16x1xi32> to vector<16xi32>
      %parallel_loop3A_338 = tpu.dynamic_gather %parallel_loop3A_335[%parallel_loop3A_337] in [0] : vector<16xf32>, vector<16xi32> -> vector<16xf32>
      %parallel_loop3A_339 = arith.constant 16 : i32
      %parallel_loop3A_340 = arith.index_cast %parallel_loop3A_339 : i32 to index
      %parallel_loop3A_341 = arith.constant 16 : index
      %parallel_loop3A_342 = tpu.vector_load %arg6[%parallel_loop3A_340, %parallel_loop3A_341] {strides = array<i32>} : memref<25x32xf32, #tpu.memory_space<vmem>>, vector<16xf32>,
      %parallel_loop3A_343 = vector.shape_cast %parallel_loop3A_27 : vector<16xi32> to vector<16x1xi32>
      %parallel_loop3A_344 = vector.shape_cast %parallel_loop3A_343 : vector<16x1xi32> to vector<16xi32>
      %parallel_loop3A_345 = tpu.dynamic_gather %parallel_loop3A_342[%parallel_loop3A_344] in [0] : vector<16xf32>, vector<16xi32> -> vector<16xf32>
      %parallel_loop3A_346 = arith.select %parallel_loop3A_24, %parallel_loop3A_338, %parallel_loop3A_345 : vector<16xi1>, vector<16xf32>
      %parallel_loop3A_347 = arith.constant 16 : i32
      %parallel_loop3A_348 = arith.index_cast %parallel_loop3A_347 : i32 to index
      %parallel_loop3A_349 = arith.index_cast %parallel_loop3A_11 : i32 to index
      %parallel_loop3A_350 = tpu.vector_load %arg9[%parallel_loop3A_348, %parallel_loop3A_349] {strides = array<i32>} : memref<25x1024xf32, #tpu.memory_space<vmem>>, vector<16xf32>,
      tpu.vector_store %arg9[%parallel_loop3A_348, %parallel_loop3A_349], %parallel_loop3A_346 {strides = array<i32>} : memref<25x1024xf32, #tpu.memory_space<vmem>>, vector<16xf32>,
      %parallel_loop3A_351 = arith.constant 17 : i32
      %parallel_loop3A_352 = arith.index_cast %parallel_loop3A_351 : i32 to index
      %parallel_loop3A_353 = arith.constant 0 : index
      %parallel_loop3A_354 = tpu.vector_load %arg6[%parallel_loop3A_352, %parallel_loop3A_353] {strides = array<i32>} : memref<25x32xf32, #tpu.memory_space<vmem>>, vector<16xf32>,
      %parallel_loop3A_355 = vector.shape_cast %parallel_loop3A_27 : vector<16xi32> to vector<16x1xi32>
      %parallel_loop3A_356 = vector.shape_cast %parallel_loop3A_355 : vector<16x1xi32> to vector<16xi32>
      %parallel_loop3A_357 = tpu.dynamic_gather %parallel_loop3A_354[%parallel_loop3A_356] in [0] : vector<16xf32>, vector<16xi32> -> vector<16xf32>
      %parallel_loop3A_358 = arith.constant 17 : i32
      %parallel_loop3A_359 = arith.index_cast %parallel_loop3A_358 : i32 to index
      %parallel_loop3A_360 = arith.constant 16 : index
      %parallel_loop3A_361 = tpu.vector_load %arg6[%parallel_loop3A_359, %parallel_loop3A_360] {strides = array<i32>} : memref<25x32xf32, #tpu.memory_space<vmem>>, vector<16xf32>,
      %parallel_loop3A_362 = vector.shape_cast %parallel_loop3A_27 : vector<16xi32> to vector<16x1xi32>
      %parallel_loop3A_363 = vector.shape_cast %parallel_loop3A_362 : vector<16x1xi32> to vector<16xi32>
      %parallel_loop3A_364 = tpu.dynamic_gather %parallel_loop3A_361[%parallel_loop3A_363] in [0] : vector<16xf32>, vector<16xi32> -> vector<16xf32>
      %parallel_loop3A_365 = arith.select %parallel_loop3A_24, %parallel_loop3A_357, %parallel_loop3A_364 : vector<16xi1>, vector<16xf32>
      %parallel_loop3A_366 = arith.constant 17 : i32
      %parallel_loop3A_367 = arith.index_cast %parallel_loop3A_366 : i32 to index
      %parallel_loop3A_368 = arith.index_cast %parallel_loop3A_11 : i32 to index
      %parallel_loop3A_369 = tpu.vector_load %arg9[%parallel_loop3A_367, %parallel_loop3A_368] {strides = array<i32>} : memref<25x1024xf32, #tpu.memory_space<vmem>>, vector<16xf32>,
      tpu.vector_store %arg9[%parallel_loop3A_367, %parallel_loop3A_368], %parallel_loop3A_365 {strides = array<i32>} : memref<25x1024xf32, #tpu.memory_space<vmem>>, vector<16xf32>,
      %parallel_loop3A_370 = arith.constant 18 : i32
      %parallel_loop3A_371 = arith.index_cast %parallel_loop3A_370 : i32 to index
      %parallel_loop3A_372 = arith.constant 0 : index
      %parallel_loop3A_373 = tpu.vector_load %arg6[%parallel_loop3A_371, %parallel_loop3A_372] {strides = array<i32>} : memref<25x32xf32, #tpu.memory_space<vmem>>, vector<16xf32>,
      %parallel_loop3A_374 = vector.shape_cast %parallel_loop3A_27 : vector<16xi32> to vector<16x1xi32>
      %parallel_loop3A_375 = vector.shape_cast %parallel_loop3A_374 : vector<16x1xi32> to vector<16xi32>
      %parallel_loop3A_376 = tpu.dynamic_gather %parallel_loop3A_373[%parallel_loop3A_375] in [0] : vector<16xf32>, vector<16xi32> -> vector<16xf32>
      %parallel_loop3A_377 = arith.constant 18 : i32
      %parallel_loop3A_378 = arith.index_cast %parallel_loop3A_377 : i32 to index
      %parallel_loop3A_379 = arith.constant 16 : index
      %parallel_loop3A_380 = tpu.vector_load %arg6[%parallel_loop3A_378, %parallel_loop3A_379] {strides = array<i32>} : memref<25x32xf32, #tpu.memory_space<vmem>>, vector<16xf32>,
      %parallel_loop3A_381 = vector.shape_cast %parallel_loop3A_27 : vector<16xi32> to vector<16x1xi32>
      %parallel_loop3A_382 = vector.shape_cast %parallel_loop3A_381 : vector<16x1xi32> to vector<16xi32>
      %parallel_loop3A_383 = tpu.dynamic_gather %parallel_loop3A_380[%parallel_loop3A_382] in [0] : vector<16xf32>, vector<16xi32> -> vector<16xf32>
      %parallel_loop3A_384 = arith.select %parallel_loop3A_24, %parallel_loop3A_376, %parallel_loop3A_383 : vector<16xi1>, vector<16xf32>
      %parallel_loop3A_385 = arith.constant 18 : i32
      %parallel_loop3A_386 = arith.index_cast %parallel_loop3A_385 : i32 to index
      %parallel_loop3A_387 = arith.index_cast %parallel_loop3A_11 : i32 to index
      %parallel_loop3A_388 = tpu.vector_load %arg9[%parallel_loop3A_386, %parallel_loop3A_387] {strides = array<i32>} : memref<25x1024xf32, #tpu.memory_space<vmem>>, vector<16xf32>,
      tpu.vector_store %arg9[%parallel_loop3A_386, %parallel_loop3A_387], %parallel_loop3A_384 {strides = array<i32>} : memref<25x1024xf32, #tpu.memory_space<vmem>>, vector<16xf32>,
      %parallel_loop3A_389 = arith.constant 19 : i32
      %parallel_loop3A_390 = arith.index_cast %parallel_loop3A_389 : i32 to index
      %parallel_loop3A_391 = arith.constant 0 : index
      %parallel_loop3A_392 = tpu.vector_load %arg6[%parallel_loop3A_390, %parallel_loop3A_391] {strides = array<i32>} : memref<25x32xf32, #tpu.memory_space<vmem>>, vector<16xf32>,
      %parallel_loop3A_393 = vector.shape_cast %parallel_loop3A_27 : vector<16xi32> to vector<16x1xi32>
      %parallel_loop3A_394 = vector.shape_cast %parallel_loop3A_393 : vector<16x1xi32> to vector<16xi32>
      %parallel_loop3A_395 = tpu.dynamic_gather %parallel_loop3A_392[%parallel_loop3A_394] in [0] : vector<16xf32>, vector<16xi32> -> vector<16xf32>
      %parallel_loop3A_396 = arith.constant 19 : i32
      %parallel_loop3A_397 = arith.index_cast %parallel_loop3A_396 : i32 to index
      %parallel_loop3A_398 = arith.constant 16 : index
      %parallel_loop3A_399 = tpu.vector_load %arg6[%parallel_loop3A_397, %parallel_loop3A_398] {strides = array<i32>} : memref<25x32xf32, #tpu.memory_space<vmem>>, vector<16xf32>,
      %parallel_loop3A_400 = vector.shape_cast %parallel_loop3A_27 : vector<16xi32> to vector<16x1xi32>
      %parallel_loop3A_401 = vector.shape_cast %parallel_loop3A_400 : vector<16x1xi32> to vector<16xi32>
      %parallel_loop3A_402 = tpu.dynamic_gather %parallel_loop3A_399[%parallel_loop3A_401] in [0] : vector<16xf32>, vector<16xi32> -> vector<16xf32>
      %parallel_loop3A_403 = arith.select %parallel_loop3A_24, %parallel_loop3A_395, %parallel_loop3A_402 : vector<16xi1>, vector<16xf32>
      %parallel_loop3A_404 = arith.constant 19 : i32
      %parallel_loop3A_405 = arith.index_cast %parallel_loop3A_404 : i32 to index
      %parallel_loop3A_406 = arith.index_cast %parallel_loop3A_11 : i32 to index
      %parallel_loop3A_407 = tpu.vector_load %arg9[%parallel_loop3A_405, %parallel_loop3A_406] {strides = array<i32>} : memref<25x1024xf32, #tpu.memory_space<vmem>>, vector<16xf32>,
      tpu.vector_store %arg9[%parallel_loop3A_405, %parallel_loop3A_406], %parallel_loop3A_403 {strides = array<i32>} : memref<25x1024xf32, #tpu.memory_space<vmem>>, vector<16xf32>,
      %parallel_loop3A_408 = arith.constant 20 : i32
      %parallel_loop3A_409 = arith.index_cast %parallel_loop3A_408 : i32 to index
      %parallel_loop3A_410 = arith.constant 0 : index
      %parallel_loop3A_411 = tpu.vector_load %arg6[%parallel_loop3A_409, %parallel_loop3A_410] {strides = array<i32>} : memref<25x32xf32, #tpu.memory_space<vmem>>, vector<16xf32>,
      %parallel_loop3A_412 = vector.shape_cast %parallel_loop3A_27 : vector<16xi32> to vector<16x1xi32>
      %parallel_loop3A_413 = vector.shape_cast %parallel_loop3A_412 : vector<16x1xi32> to vector<16xi32>
      %parallel_loop3A_414 = tpu.dynamic_gather %parallel_loop3A_411[%parallel_loop3A_413] in [0] : vector<16xf32>, vector<16xi32> -> vector<16xf32>
      %parallel_loop3A_415 = arith.constant 20 : i32
      %parallel_loop3A_416 = arith.index_cast %parallel_loop3A_415 : i32 to index
      %parallel_loop3A_417 = arith.constant 16 : index
      %parallel_loop3A_418 = tpu.vector_load %arg6[%parallel_loop3A_416, %parallel_loop3A_417] {strides = array<i32>} : memref<25x32xf32, #tpu.memory_space<vmem>>, vector<16xf32>,
      %parallel_loop3A_419 = vector.shape_cast %parallel_loop3A_27 : vector<16xi32> to vector<16x1xi32>
      %parallel_loop3A_420 = vector.shape_cast %parallel_loop3A_419 : vector<16x1xi32> to vector<16xi32>
      %parallel_loop3A_421 = tpu.dynamic_gather %parallel_loop3A_418[%parallel_loop3A_420] in [0] : vector<16xf32>, vector<16xi32> -> vector<16xf32>
      %parallel_loop3A_422 = arith.select %parallel_loop3A_24, %parallel_loop3A_414, %parallel_loop3A_421 : vector<16xi1>, vector<16xf32>
      %parallel_loop3A_423 = arith.constant 20 : i32
      %parallel_loop3A_424 = arith.index_cast %parallel_loop3A_423 : i32 to index
      %parallel_loop3A_425 = arith.index_cast %parallel_loop3A_11 : i32 to index
      %parallel_loop3A_426 = tpu.vector_load %arg9[%parallel_loop3A_424, %parallel_loop3A_425] {strides = array<i32>} : memref<25x1024xf32, #tpu.memory_space<vmem>>, vector<16xf32>,
      tpu.vector_store %arg9[%parallel_loop3A_424, %parallel_loop3A_425], %parallel_loop3A_422 {strides = array<i32>} : memref<25x1024xf32, #tpu.memory_space<vmem>>, vector<16xf32>,
      %parallel_loop3A_427 = arith.constant 21 : i32
      %parallel_loop3A_428 = arith.index_cast %parallel_loop3A_427 : i32 to index
      %parallel_loop3A_429 = arith.constant 0 : index
      %parallel_loop3A_430 = tpu.vector_load %arg6[%parallel_loop3A_428, %parallel_loop3A_429] {strides = array<i32>} : memref<25x32xf32, #tpu.memory_space<vmem>>, vector<16xf32>,
      %parallel_loop3A_431 = vector.shape_cast %parallel_loop3A_27 : vector<16xi32> to vector<16x1xi32>
      %parallel_loop3A_432 = vector.shape_cast %parallel_loop3A_431 : vector<16x1xi32> to vector<16xi32>
      %parallel_loop3A_433 = tpu.dynamic_gather %parallel_loop3A_430[%parallel_loop3A_432] in [0] : vector<16xf32>, vector<16xi32> -> vector<16xf32>
      %parallel_loop3A_434 = arith.constant 21 : i32
      %parallel_loop3A_435 = arith.index_cast %parallel_loop3A_434 : i32 to index
      %parallel_loop3A_436 = arith.constant 16 : index
      %parallel_loop3A_437 = tpu.vector_load %arg6[%parallel_loop3A_435, %parallel_loop3A_436] {strides = array<i32>} : memref<25x32xf32, #tpu.memory_space<vmem>>, vector<16xf32>,
      %parallel_loop3A_438 = vector.shape_cast %parallel_loop3A_27 : vector<16xi32> to vector<16x1xi32>
      %parallel_loop3A_439 = vector.shape_cast %parallel_loop3A_438 : vector<16x1xi32> to vector<16xi32>
      %parallel_loop3A_440 = tpu.dynamic_gather %parallel_loop3A_437[%parallel_loop3A_439] in [0] : vector<16xf32>, vector<16xi32> -> vector<16xf32>
      %parallel_loop3A_441 = arith.select %parallel_loop3A_24, %parallel_loop3A_433, %parallel_loop3A_440 : vector<16xi1>, vector<16xf32>
      %parallel_loop3A_442 = arith.constant 21 : i32
      %parallel_loop3A_443 = arith.index_cast %parallel_loop3A_442 : i32 to index
      %parallel_loop3A_444 = arith.index_cast %parallel_loop3A_11 : i32 to index
      %parallel_loop3A_445 = tpu.vector_load %arg9[%parallel_loop3A_443, %parallel_loop3A_444] {strides = array<i32>} : memref<25x1024xf32, #tpu.memory_space<vmem>>, vector<16xf32>,
      tpu.vector_store %arg9[%parallel_loop3A_443, %parallel_loop3A_444], %parallel_loop3A_441 {strides = array<i32>} : memref<25x1024xf32, #tpu.memory_space<vmem>>, vector<16xf32>,
      %parallel_loop3A_446 = arith.constant 22 : i32
      %parallel_loop3A_447 = arith.index_cast %parallel_loop3A_446 : i32 to index
      %parallel_loop3A_448 = arith.constant 0 : index
      %parallel_loop3A_449 = tpu.vector_load %arg6[%parallel_loop3A_447, %parallel_loop3A_448] {strides = array<i32>} : memref<25x32xf32, #tpu.memory_space<vmem>>, vector<16xf32>,
      %parallel_loop3A_450 = vector.shape_cast %parallel_loop3A_27 : vector<16xi32> to vector<16x1xi32>
      %parallel_loop3A_451 = vector.shape_cast %parallel_loop3A_450 : vector<16x1xi32> to vector<16xi32>
      %parallel_loop3A_452 = tpu.dynamic_gather %parallel_loop3A_449[%parallel_loop3A_451] in [0] : vector<16xf32>, vector<16xi32> -> vector<16xf32>
      %parallel_loop3A_453 = arith.constant 22 : i32
      %parallel_loop3A_454 = arith.index_cast %parallel_loop3A_453 : i32 to index
      %parallel_loop3A_455 = arith.constant 16 : index
      %parallel_loop3A_456 = tpu.vector_load %arg6[%parallel_loop3A_454, %parallel_loop3A_455] {strides = array<i32>} : memref<25x32xf32, #tpu.memory_space<vmem>>, vector<16xf32>,
      %parallel_loop3A_457 = vector.shape_cast %parallel_loop3A_27 : vector<16xi32> to vector<16x1xi32>
      %parallel_loop3A_458 = vector.shape_cast %parallel_loop3A_457 : vector<16x1xi32> to vector<16xi32>
      %parallel_loop3A_459 = tpu.dynamic_gather %parallel_loop3A_456[%parallel_loop3A_458] in [0] : vector<16xf32>, vector<16xi32> -> vector<16xf32>
      %parallel_loop3A_460 = arith.select %parallel_loop3A_24, %parallel_loop3A_452, %parallel_loop3A_459 : vector<16xi1>, vector<16xf32>
      %parallel_loop3A_461 = arith.constant 22 : i32
      %parallel_loop3A_462 = arith.index_cast %parallel_loop3A_461 : i32 to index
      %parallel_loop3A_463 = arith.index_cast %parallel_loop3A_11 : i32 to index
      %parallel_loop3A_464 = tpu.vector_load %arg9[%parallel_loop3A_462, %parallel_loop3A_463] {strides = array<i32>} : memref<25x1024xf32, #tpu.memory_space<vmem>>, vector<16xf32>,
      tpu.vector_store %arg9[%parallel_loop3A_462, %parallel_loop3A_463], %parallel_loop3A_460 {strides = array<i32>} : memref<25x1024xf32, #tpu.memory_space<vmem>>, vector<16xf32>,
      %parallel_loop3A_465 = arith.constant 23 : i32
      %parallel_loop3A_466 = arith.index_cast %parallel_loop3A_465 : i32 to index
      %parallel_loop3A_467 = arith.constant 0 : index
      %parallel_loop3A_468 = tpu.vector_load %arg6[%parallel_loop3A_466, %parallel_loop3A_467] {strides = array<i32>} : memref<25x32xf32, #tpu.memory_space<vmem>>, vector<16xf32>,
      %parallel_loop3A_469 = vector.shape_cast %parallel_loop3A_27 : vector<16xi32> to vector<16x1xi32>
      %parallel_loop3A_470 = vector.shape_cast %parallel_loop3A_469 : vector<16x1xi32> to vector<16xi32>
      %parallel_loop3A_471 = tpu.dynamic_gather %parallel_loop3A_468[%parallel_loop3A_470] in [0] : vector<16xf32>, vector<16xi32> -> vector<16xf32>
      %parallel_loop3A_472 = arith.constant 23 : i32
      %parallel_loop3A_473 = arith.index_cast %parallel_loop3A_472 : i32 to index
      %parallel_loop3A_474 = arith.constant 16 : index
      %parallel_loop3A_475 = tpu.vector_load %arg6[%parallel_loop3A_473, %parallel_loop3A_474] {strides = array<i32>} : memref<25x32xf32, #tpu.memory_space<vmem>>, vector<16xf32>,
      %parallel_loop3A_476 = vector.shape_cast %parallel_loop3A_27 : vector<16xi32> to vector<16x1xi32>
      %parallel_loop3A_477 = vector.shape_cast %parallel_loop3A_476 : vector<16x1xi32> to vector<16xi32>
      %parallel_loop3A_478 = tpu.dynamic_gather %parallel_loop3A_475[%parallel_loop3A_477] in [0] : vector<16xf32>, vector<16xi32> -> vector<16xf32>
      %parallel_loop3A_479 = arith.select %parallel_loop3A_24, %parallel_loop3A_471, %parallel_loop3A_478 : vector<16xi1>, vector<16xf32>
      %parallel_loop3A_480 = arith.constant 23 : i32
      %parallel_loop3A_481 = arith.index_cast %parallel_loop3A_480 : i32 to index
      %parallel_loop3A_482 = arith.index_cast %parallel_loop3A_11 : i32 to index
      %parallel_loop3A_483 = tpu.vector_load %arg9[%parallel_loop3A_481, %parallel_loop3A_482] {strides = array<i32>} : memref<25x1024xf32, #tpu.memory_space<vmem>>, vector<16xf32>,
      tpu.vector_store %arg9[%parallel_loop3A_481, %parallel_loop3A_482], %parallel_loop3A_479 {strides = array<i32>} : memref<25x1024xf32, #tpu.memory_space<vmem>>, vector<16xf32>,
      %parallel_loop3A_484 = arith.constant 24 : i32
      %parallel_loop3A_485 = arith.index_cast %parallel_loop3A_484 : i32 to index
      %parallel_loop3A_486 = arith.constant 0 : index
      %parallel_loop3A_487 = tpu.vector_load %arg6[%parallel_loop3A_485, %parallel_loop3A_486] {strides = array<i32>} : memref<25x32xf32, #tpu.memory_space<vmem>>, vector<16xf32>,
      %parallel_loop3A_488 = vector.shape_cast %parallel_loop3A_27 : vector<16xi32> to vector<16x1xi32>
      %parallel_loop3A_489 = vector.shape_cast %parallel_loop3A_488 : vector<16x1xi32> to vector<16xi32>
      %parallel_loop3A_490 = tpu.dynamic_gather %parallel_loop3A_487[%parallel_loop3A_489] in [0] : vector<16xf32>, vector<16xi32> -> vector<16xf32>
      %parallel_loop3A_491 = arith.constant 24 : i32
      %parallel_loop3A_492 = arith.index_cast %parallel_loop3A_491 : i32 to index
      %parallel_loop3A_493 = arith.constant 16 : index
      %parallel_loop3A_494 = tpu.vector_load %arg6[%parallel_loop3A_492, %parallel_loop3A_493] {strides = array<i32>} : memref<25x32xf32, #tpu.memory_space<vmem>>, vector<16xf32>,
      %parallel_loop3A_495 = vector.shape_cast %parallel_loop3A_27 : vector<16xi32> to vector<16x1xi32>
      %parallel_loop3A_496 = vector.shape_cast %parallel_loop3A_495 : vector<16x1xi32> to vector<16xi32>
      %parallel_loop3A_497 = tpu.dynamic_gather %parallel_loop3A_494[%parallel_loop3A_496] in [0] : vector<16xf32>, vector<16xi32> -> vector<16xf32>
      %parallel_loop3A_498 = arith.select %parallel_loop3A_24, %parallel_loop3A_490, %parallel_loop3A_497 : vector<16xi1>, vector<16xf32>
      %parallel_loop3A_499 = arith.constant 24 : i32
      %parallel_loop3A_500 = arith.index_cast %parallel_loop3A_499 : i32 to index
      %parallel_loop3A_501 = arith.index_cast %parallel_loop3A_11 : i32 to index
      %parallel_loop3A_502 = tpu.vector_load %arg9[%parallel_loop3A_500, %parallel_loop3A_501] {strides = array<i32>} : memref<25x1024xf32, #tpu.memory_space<vmem>>, vector<16xf32>,
      tpu.vector_store %arg9[%parallel_loop3A_500, %parallel_loop3A_501], %parallel_loop3A_498 {strides = array<i32>} : memref<25x1024xf32, #tpu.memory_space<vmem>>, vector<16xf32>,
    } {sc.loop_unroll_factor = 1 : i64, sc.parallel_access}
    "tpu.region"() ({
      %run_scoped3A = tpu.sem_alloc : memref<!tpu.dma_semaphore, #tpu.memory_space<semaphore_mem>>
      %dma_start3A_11 = arith.constant 0 : i32
      %dma_start3A_12 = tpu.memref_slice %arg5[%dma_start3A_11, %mul3A_2] : memref<25x16384xf32, #tpu.memory_space<hbm>> -> memref<25x1024xf32, #tpu.memory_space<hbm>>
      %dma_start3A_13 = arith.constant 0 : i32
      %dma_start3A_14 = tpu.memref_slice %arg5[%dma_start3A_13, %mul3A_2] : memref<25x16384xf32, #tpu.memory_space<hbm>> -> memref<25x1024xf32, #tpu.memory_space<hbm>>
      tpu.enqueue_dma source(%arg9 : memref<25x1024xf32, #tpu.memory_space<vmem>>) target(%dma_start3A_14 : memref<25x1024xf32, #tpu.memory_space<hbm>>) target_semaphore(%run_scoped3A : memref<!tpu.dma_semaphore, #tpu.memory_space<semaphore_mem>>)
      %dma_wait3A_15 = arith.constant 0 : i32
      %dma_wait3A_16 = tpu.memref_slice %arg5[%dma_wait3A_15, %mul3A_2] : memref<25x16384xf32, #tpu.memory_space<hbm>> -> memref<25x1024xf32, #tpu.memory_space<hbm>>
      %dma_wait3A_17 = arith.constant 0 : i32
      %dma_wait3A_18 = tpu.memref_slice %arg5[%dma_wait3A_17, %mul3A_2] : memref<25x16384xf32, #tpu.memory_space<hbm>> -> memref<25x1024xf32, #tpu.memory_space<hbm>>
      tpu.wait_dma2 semaphore(%run_scoped3A : memref<!tpu.dma_semaphore, #tpu.memory_space<semaphore_mem>>) src(%arg9 : memref<25x1024xf32, #tpu.memory_space<vmem>>) dst(%dma_wait3A_18 : memref<25x1024xf32, #tpu.memory_space<hbm>>)
      tpu.yield
    }) : () -> ()
    return
  }
}

</mosaic_0001>

<sc_bundles>
// kernel: kernel.3.cloned.1.call-start
scs
__scs_entry_jumppad:
0x0: {  	(pc) =	sbr.rel $0x88, $3  }
0x1: {  	(tag) =	ssettag $0x0;
	lr =	simm.s32 $0x1  }
0x2: {  	[smem:$0x3F9E] =	sst lr;
	_ =	strace $0xD0000000  }
0x3: {  	_ = 	snop  }
0x4: {  	_ = 	snop  }
0x5: {  	_ = 	snop  }
0x6: {  	_ = 	snop  }
0x7: {  	_ = 	snop  }
__scs_overlays_trampoline_lowered:
0x8: {  	[smem:$0x3FAD] =	sst s0  }
0x9: {  	[smem:$0x3FAE] =	sst s1  }
0xa: {  	[smem:$0x3FAF] =	sst s2  }
0xb: {  	[smem:$0x3FB0] =	sst s3  }
0xc: {  	[smem:$0x3FB1] =	sst s4  }
0xd: {  	[smem:$0x3FB2] =	sst s5  }
0xe: {  	[smem:$0x3FB3] =	sst s6  }
0xf: {  	[smem:$0x3FB4] =	sst s7  }
0x10: {  	[smem:$0x3FB5] =	sst s8  }
0x11: {  	[smem:$0x3FB6] =	sst s9;
	s0 =	simm.s32 @!p0 $0x0  }
0x12: {  	s1 =	sld [smem:$0x3F9C];
	s0 =	simm.s32 @p0 $0x1  }
0x13: {  	[smem:$0x3FB7] =	sst s0;
	s0 =	simm.s32 @!p1 $0x0  }
0x14: {  	s2 =	sld [smem:$0x3F9B];
	s0 =	simm.s32 @p1 $0x1  }
0x15: {  	[smem:$0x3FB8] =	sst s0;
	s0 =	simm.s32 @!p2 $0x0  }
0x16: {  	s3 =	sld [smem:$0x3FDB];
	s0 =	simm.s32 @p2 $0x1  }
0x17: {  	s4 =	simm.s32 $0x1BF5;
	[smem:$0x3FBA] =	sst s0  }
0x18: {  	s0 =	sld [smem:$0x3F9D];
	_ =	swait.ge [sflag:s4], $0x0  }
0x19: {  	s7 =	sld [smem:$0x3F9E]  }
0x1a: {  	s8 =	sadd.s32 $0xFFFFE003, lr  }
0x1b: {  	s9 =	sadd.s32 $0xFFFFFEF7, lr;
	s5 =	simm.s32 $0xFFFFFFFF;
	p2 =	slt.u32 s8, $0xFFFFF086  }
0x1c: {  	p1 =	slt.u32 s9, $0xF7A;
	s5 =	simm.s32 @!p2 $0x0  }
0x1d: {  	s5 =	simm.s32 @p1 $0x1;
	p0 =	seq.s32 s7, s2  }
0x1e: {  	s7 =	smul.u32 @!p0 $0xF7A, s2;
	p2 =	seq.s32 @!p0 s5, $0x0  }
0x1f: {  	s9 =	smul.u32 $0xF7A, s1;
	s8 =	simm.s32 @!p0 $0x1BF5;
	p2 =	por !p2, p0  }
0x20: {  	[sflag:s8] =	ssyncset.s32 @!p0 $0xFFFFF086;
	s6 =	sadd.s32 @!p0 s3, s7;
	s7 =	simm.s32 @!p0 $0x108  }
0x21: {  	s3 =	sadd.s32 s3, s9;
	s6 =	sadd.s32 @!p0 $0x88, s6;
	s7 =	simm.s32 @p2 $0x1082  }
0x22: {  	[simem:s7], [sflag:s8] =	dma.local @!p0 [hbm:s6], $0xF7A  }
0x23: {  	s9 =	sor.u32 $0xD0000000, s2;
	s6 =	simm.s32 $0x108;
	_ =	swait.ge @!p0 [sflag:s8], $0x0  }
0x24: {  	s3 =	sadd.s32 $0x88, s3;
	s6 =	simm.s32 @!p1 $0x1082;
	[sflag:s4] =	ssyncset.s32 $0xFFFFF086  }
0x25: {  	[simem:s6], [sflag:s4] =	dma.local [hbm:s3], $0xF7A  }
0x26: {  	[smem:$0x3F9E] =	sst s1;
	(tag) =	ssettag s2;
	_ =	strace s9  }
0x27: {  	s1 =	sld [smem:$0x3FAE]  }
0x28: {  	s2 =	sld [smem:$0x3FAF]  }
0x29: {  	s4 =	sld [smem:$0x3FB1]  }
0x2a: {  	p0 =	seq.s32 s5, $0x0;
	s5 =	sld [smem:$0x3FB2]  }
0x2b: {  	s6 =	sld [smem:$0x3FB3]  }
0x2c: {  	s7 =	sld [smem:$0x3FB4]  }
0x2d: {  	s3 =	simm.s32 $0x108;
	s8 =	sld [smem:$0x3FB5]  }
0x2e: {  	s3 =	simm.s32 @!p0 $0x1082;
	s9 =	sld [smem:$0x3FB6]  }
0x2f: {  	lr =	sadd.s32 s0, s3;
	s0 =	sld [smem:$0x3FAD]  }
0x30: {  	s3 =	sld [smem:$0x3FB0]  }
0x31: {  	[smem:$0x3FB9] =	sst s10  }
0x32: {  	s10 =	sld [smem:$0x3FB7];
	_ =	sdelay $0x3  }
0x33: {  	p0 =	seq.s32 s10, $0x1;
	s10 =	sld [smem:$0x3FB9];
	_ =	sdelay $0x3  }
0x34: {  	[smem:$0x3FB9] =	sst s10  }
0x35: {  	s10 =	sld [smem:$0x3FB8];
	_ =	sdelay $0x3  }
0x36: {  	p1 =	seq.s32 s10, $0x1;
	s10 =	sld [smem:$0x3FB9];
	_ =	sdelay $0x3  }
0x37: {  	[smem:$0x3FB9] =	sst s10  }
0x38: {  	s10 =	sld [smem:$0x3FBA]  }
0x39: {  	_ = 	snop;
	(pc) =	sbr.ind lr, $3  }
0x3a: {  	_ = 	snop  }
0x3b: {  	_ = 	snop  }
0x3c: {  	p2 =	seq.s32 s10, $0x1;
	s10 =	sld [smem:$0x3FB9]  }
0x3d: {  	_ =	shalt  }
0x3e: {  	_ =	shalt  }
0x3f: {  	_ =	shalt  }
0x40: {  	_ =	shalt  }
0x41: {  	_ =	shalt  }
0x42: {  	_ =	shalt  }
0x43: {  	_ =	shalt  }
0x44: {  	_ =	shalt  }
0x45: {  	_ =	shalt  }
0x46: {  	_ =	shalt  }
0x47: {  	_ =	shalt  }
0x48: {  	_ =	shalt  }
0x49: {  	_ =	shalt  }
0x4a: {  	_ =	shalt  }
0x4b: {  	_ =	shalt  }
0x4c: {  	_ =	shalt  }
0x4d: {  	_ =	shalt  }
0x4e: {  	_ =	shalt  }
0x4f: {  	_ =	shalt  }
0x50: {  	_ =	shalt  }
0x51: {  	_ =	shalt  }
0x52: {  	_ =	shalt  }
0x53: {  	_ =	shalt  }
0x54: {  	_ =	shalt  }
0x55: {  	_ =	shalt  }
0x56: {  	_ =	shalt  }
0x57: {  	_ =	shalt  }
0x58: {  	_ =	shalt  }
0x59: {  	_ =	shalt  }
0x5a: {  	_ =	shalt  }
0x5b: {  	_ =	shalt  }
0x5c: {  	_ =	shalt  }
0x5d: {  	_ =	shalt  }
0x5e: {  	_ =	shalt  }
0x5f: {  	_ =	shalt  }
0x60: {  	_ =	shalt  }
0x61: {  	_ =	shalt  }
0x62: {  	_ =	shalt  }
0x63: {  	_ =	shalt  }
0x64: {  	_ =	shalt  }
0x65: {  	_ =	shalt  }
0x66: {  	_ =	shalt  }
0x67: {  	_ =	shalt  }
0x68: {  	_ =	shalt  }
0x69: {  	_ =	shalt  }
0x6a: {  	_ =	shalt  }
0x6b: {  	_ =	shalt  }
0x6c: {  	_ =	shalt  }
0x6d: {  	_ =	shalt  }
0x6e: {  	_ =	shalt  }
0x6f: {  	_ =	shalt  }
0x70: {  	_ =	shalt  }
0x71: {  	_ =	shalt  }
0x72: {  	_ =	shalt  }
0x73: {  	_ =	shalt  }
0x74: {  	_ =	shalt  }
0x75: {  	_ =	shalt  }
0x76: {  	_ =	shalt  }
0x77: {  	_ =	shalt  }
0x78: {  	_ =	shalt  }
0x79: {  	_ =	shalt  }
0x7a: {  	_ =	shalt  }
0x7b: {  	_ =	shalt  }
0x7c: {  	_ =	shalt  }
0x7d: {  	_ =	shalt  }
0x7e: {  	_ =	shalt  }
0x7f: {  	_ =	shalt  }
0x80: {  	_ =	shalt  }
0x81: {  	_ =	shalt  }
0x82: {  	_ =	shalt  }
0x83: {  	_ =	shalt  }
0x84: {  	_ =	shalt  }
0x85: {  	_ =	shalt  }
0x86: {  	_ =	shalt  }
0x87: {  	_ =	shalt  }
.Lfunc_end0:
.L_simem_size_0:
called_computation_lowered:
.L_overlay_start_0:
0x88: {  	s0 =	sld [smem:$0x3FD9]  }
0x89: {  	s1 =	sld [smem:$0x3FFE];
	_ =	sdelay $0x3  }
0x8a: {  	s0 =	sadd.s32 s1, s0  }
0x8b: {  	[smem:$0x3FC5] =	sst s0  }
0x8c: {  	_ = 	snop  }
0x8d: {  	s0 =	sld [smem:$0x3FC8]  }
0x8e: {  	s16 =	sld [smem:$0x3FD0];
	(tm) =	ssettm $0x1  }
0x8f: {  	s2 =	sld [smem:$0x3FFB];
	_ =	sdelay $0x3  }
0x90: {  	_ =	strace s2  }
0x91: {  	s2 =	sld [smem:$0x3FFC];
	_ =	sdelay $0x3  }
0x92: {  	_ =	strace s2  }
0x93: {  	s2 =	sld [smem:$0x3FFD];
	_ =	sdelay $0x3  }
0x94: {  	_ =	strace s2  }
0x95: {  	_ =	strace $0x8FFFFFFF  }
0x96: {  	s17 =	sld [smem:$0x3FDB];
	_ =	sdelay $0x1  }
0x97: {  	s3 =	simm.s32 $_scs_section_size  }
0x98: {  	s4 =	simm.s32 $_size__tile_overlayer_lowered;
	s5 =	simm.s32 $_tile_overlayer_lowered  }
0x99: {  	s20 =	simm.s32 $0x1BFF;
	s19 =	sshll.u32 s5, $0x1;
	s2 =	sadd.s32 s3, s17  }
0x9a: {  	s6 =	simm.s32 $0x0;
	s18 =	sshll.u32 s4, $0x1;
	s4 =	sadd.s32 s19, s2  }
0x9b: {  	[timem:s6], [sflag:s20] =	dma.local [hbm:s4], s18  }
0x9c: {  	_ =	swait.ge [sflag:s20], s18  }
0x9d: {  	s3 =	ssub.s32 $0x0, s18;
	[sflag:s20] =	ssyncset.done $0x0  }
0x9e: {  	[sflag:s20] =	ssyncadd.s32 s3;
	_ =	sdelay $0x1  }
0x9f: {  	s21 =	simm.s32 $0x1B8B  }
0xa0: {  	_ =	swait.ge [sflag:s21], $0x1  }
0xa1: {  	[sflag:s21] =	ssyncset.done $0x0  }
0xa2: {  	s23 =	simm.s32 $0x1B8E;
	s22 =	sld [smem:$0x3FFE];
	[sflag:s21] =	ssyncadd.s32 $0xFFFFFFFF  }
0xa3: {  	s24 =	simm.s32 $execute0_lowered;
	[smem:$0x3FD2] =	sst s23  }
0xa4: {  	s4 =	sshll.u32 s24, $0x1;
	_ =	strace $0x80000046;
	[dreg:$0x1] =	wrdreg $0xFFFFFFFF  }
0xa5: {  	s25 =	simm.s32 $_size_execute0_lowered;
	s2 =	sadd.s32 s2, s4;
	[dreg:$0x0] =	wrdreg $0x0  }
0xa6: {  	s4 =	sshll.u32 s25, $0x1;
	[dreg:$0x2] =	wrdreg s2  }
0xa7: {  	[dreg:$0x3] =	wrdreg s4  }
0xa8: {  	[dreg:$0x4] =	wrdreg $0xC0  }
0xa9: {  	_ =	task [dreg:s6], $0x5FFFF  }
0xaa: {  	[dreg:$0x1] =	wrdreg $0xFFFFFFFF  }
0xab: {  	[dreg:$0x0] =	wrdreg $0x60  }
0xac: {  	[dreg:$0x2] =	wrdreg s22  }
0xad: {  	[dreg:$0x3] =	wrdreg s0  }
0xae: {  	[dreg:$0x4] =	wrdreg s16  }
0xaf: {  	[dreg:$0x5] =	wrdreg $0x9  }
0xb0: {  	_ =	task.clear_ibuf [dreg:s6], $0x6FFFF;
	_ =	strace $0x90000046  }
0xb1: {  	s26 =	simm.s32 $0x9;
	_ =	strace $0x80000048  }
0xb2: {  	_ =	swait.ge [sflag:s26], $0x1  }
0xb3: {  	[sflag:s26] =	ssyncadd.s32 $0xFFFFFFFF  }
0xb4: {  	_ =	strace $0x90000048  }
0xb5: {  	_ =	sfence  }
0xb6: {  	s28 =	sld [smem:$0x0];
	_ =	sdelay $0x1  }
0xb7: {  	s29 =	srdreg.scid  }
0xb8: {  	s30 =	sshll.u32 s29, $0xD;
	s31 =	sshrl.u32 s29, $0x2  }
0xb9: {  	s1 =	sand.u32 $0x1, s29;
	s2 =	sand.u32 $0x4000, s30;
	s0 =	sadd.s32 s31, s28  }
0xba: {  	s1 =	sor.u32 s2, s1;
	s0 =	sshll.u32 s0, $0x11  }
0xbb: {  	s0 =	sor.u32 s0, s1  }
0xbc: {  	s0 =	sadd.s32 $0x8F2B, s0  }
0xbd: {  	[sflag:s0] =	ssyncadd.remote.s32 $0x1  }
0xbe: {  	_ =	sfence.sel $0xFFFF  }
0xbf: {  	[dreg:$0x0] =	wrdreg $0xFFFFFFFF;
	(pc) =	sbr.abs _section_cstart, $3  }
0xc0: {  	[dreg:$0x1] =	wrdreg $0xFFFFFFFF  }
0xc1: {  	_ =	task.clear_ibuf [dreg:s6], $0x2FFFF;
	_ =	strace $0x9FFFFFFF  }
0xc2: {  	(tm) =	ssettm $0x7FFFFFFF  }
0xc3: {  	_ =	shalt  }
tec
execute0_lowered:
.L_overlay_start_1:
0x0: {  	(tag) =	ssettag $0x1  }
0x1: {  	s3 =	rddreg [dreg:$0x0]  }
0x2: {  	s4 =	rddreg [dreg:$0x1]  }
0x3: {  	s2 =	rddreg [dreg:$0x2]  }
0x4: {  	s0 =	rddreg [dreg:$0x3];
	s5 =	simm.s32 $0x0;
	s1 =	stileid.u32  }
0x5: {  	[smem:$0x7FF] =	sst s5;
	s6 =	sshll.u32 s1, $0x7  }
0x6: {  	s7 =	sadd.s32 $0xC00, s3;
	_ =	strace $0x80000047;
	s3 =	sadd.s32 s6, s3  }
0x7: {  	[tilespmem:s5], [sflag:$0x1] =	stream.linear.gather [hbm4b:s7+s5], $0xC80, $0x38;
	[tilespmem:$0x9800] =	vst v63  }
0x8: {  	s14 =	simm.s32 $0x1000;
	s3 =	sadd.s32 $0x400, s3  }
0x9: {  	[tilespmem:s14], [sflag:$0x1] =	stream.linear.gather [hbm4b:s3+s5], $0x400, $0x38;
	[tilespmem:$0x9800] =	vst v63  }
0xa: {  	s16 =	simm.s32 $0x1400;
	s17 =	simm.s32 $0x1;
	s15 =	sadd.s32 s4, s6  }
0xb: {  	[tilespmem:s16], [sflag:$0x1] =	stream.linear.gather [hbm4b:s15+s5], $0x400, $0x38;
	[tilespmem:$0x9800] =	vst v63  }
0xc: {  	_ =	swait.ge [sflag:s17], $0xC80  }
0xd: {  	[sflag:s17] =	ssyncset.done $0x0  }
0xe: {  	[sflag:s17] =	ssyncadd.s32 $0xFFFFF380  }
0xf: {  	_ =	swait.ge [sflag:s17], $0x400  }
0x10: {  	[sflag:s17] =	ssyncset.done $0x0  }
0x11: {  	[sflag:s17] =	ssyncadd.s32 $0xFFFFFC00  }
0x12: {  	_ =	swait.ge [sflag:s17], $0x400  }
0x13: {  	[sflag:s17] =	ssyncset.done $0x0  }
0x14: {  	[sflag:s17] =	ssyncadd.s32 $0xFFFFFC00  }
0x15: {  	v0 =	vld [tilespmem:s16+$0x0]  }
0x16: {  	v1 =	vld [tilespmem:s14+$0x0]  }
0x17: {  	v2 =	vld [tilespmem:$0x0]  }
0x18: {  	v3 =	vld [tilespmem:$0x10];
	_ =	sdelay $0x1  }
0x19: {  	vm0 =	vgt.s32 v0, $0x0  }
0x1a: {  	v1 =	vnsel vm0, $0x1A, v1  }
0x1b: {  	v0 =	vand.u32 $0xF, v1  }
0x1c: {  	s8 =	simm.s32 $0x0;
	v2 =	vperm.xlane v2, v0;
	v3 =	vperm.xlane v3, v0  }
0x1d: {  	s18 =	sand.u32 $0x70, s8;
	s19 =	sand.u32 $0x1C00, s5;
	vm0 =	vlt.s32 v1, $0x10  }
0x1e: {  	s3 =	sor.u32 s18, s19;
	v1 =	vsel vm0, v2, v3  }
0x1f: {  	[tilespmem:s3+$0x1800] =	vst v1  }
0x20: {  	v1 =	vld [tilespmem:$0x80]  }
0x21: {  	v2 =	vld [tilespmem:$0x90];
	_ =	sdelay $0x4  }
0x22: {  	v1 =	vperm.xlane v1, v0;
	v2 =	vperm.xlane v2, v0;
	_ =	sdelay $0x1  }
0x23: {  	v1 =	vsel vm0, v1, v2  }
0x24: {  	[tilespmem:s3+$0x1880] =	vst v1  }
0x25: {  	v1 =	vld [tilespmem:$0x100]  }
0x26: {  	v2 =	vld [tilespmem:$0x110];
	_ =	sdelay $0x4  }
0x27: {  	v1 =	vperm.xlane v1, v0;
	v2 =	vperm.xlane v2, v0;
	_ =	sdelay $0x1  }
0x28: {  	v1 =	vsel vm0, v1, v2  }
0x29: {  	[tilespmem:s3+$0x1900] =	vst v1  }
0x2a: {  	v1 =	vld [tilespmem:$0x180]  }
0x2b: {  	v2 =	vld [tilespmem:$0x190];
	_ =	sdelay $0x4  }
0x2c: {  	v1 =	vperm.xlane v1, v0;
	v2 =	vperm.xlane v2, v0;
	_ =	sdelay $0x1  }
0x2d: {  	v1 =	vsel vm0, v1, v2  }
0x2e: {  	[tilespmem:s3+$0x1980] =	vst v1  }
0x2f: {  	v1 =	vld [tilespmem:$0x200]  }
0x30: {  	v2 =	vld [tilespmem:$0x210];
	_ =	sdelay $0x4  }
0x31: {  	v1 =	vperm.xlane v1, v0;
	v2 =	vperm.xlane v2, v0  }
0x32: {  	s20 =	simm.s32 $0x1010;
	vm0 =	vmmov vm0  }
0x33: {  	s21 =	simm.s32 $0x1410;
	v3 =	vld [tilespmem:s20+$0x0];
	v1 =	vsel vm0, v1, v2  }
0x34: {  	v2 =	vld [tilespmem:s21+$0x0];
	[tilespmem:s3+$0x1A00] =	vst v1  }
0x35: {  	v1 =	vld [tilespmem:$0x280]  }
0x36: {  	v4 =	vld [tilespmem:$0x290]  }
0x37: {  	v5 =	vld [tilespmem:$0x0]  }
0x38: {  	v6 =	vld [tilespmem:$0x10];
	_ =	sdelay $0x1  }
0x39: {  	vm1 =	vgt.s32 v2, $0x0  }
0x3a: {  	v2 =	vnsel vm1, $0x1A, v3;
	v3 =	vperm.xlane v1, v0;
	v4 =	vperm.xlane v4, v0  }
0x3b: {  	v1 =	vand.u32 $0xF, v2  }
0x3c: {  	s22 =	simm.s32 $0x10;
	s23 =	simm.s32 $0x80;
	v5 =	vperm.xlane v5, v1;
	v6 =	vperm.xlane v6, v1;
	v3 =	vsel vm0, v3, v4  }
0x3d: {  	s24 =	sand.u32 $0x70, s22;
	s9 =	sand.u32 $0x1C00, s23;
	vm1 =	vlt.s32 v2, $0x10;
	[tilespmem:s3+$0x1A80] =	vst v3  }
0x3e: {  	s4 =	sor.u32 s24, s9;
	v2 =	vsel vm1, v5, v6;
	v3 =	vld [tilespmem:$0x300]  }
0x3f: {  	[tilespmem:s4+$0x1800] =	vst v2;
	v2 =	vld [tilespmem:$0x310]  }
0x40: {  	v4 =	vld [tilespmem:$0x80]  }
0x41: {  	v5 =	vld [tilespmem:$0x90];
	_ =	sdelay $0x2  }
0x42: {  	v3 =	vperm.xlane v3, v0;
	v2 =	vperm.xlane v2, v0;
	_ =	sdelay $0x1  }
0x43: {  	v4 =	vperm.xlane v4, v1;
	v5 =	vperm.xlane v5, v1;
	v2 =	vsel vm0, v3, v2  }
0x44: {  	[tilespmem:s3+$0x1B00] =	vst v2  }
0x45: {  	v2 =	vsel vm1, v4, v5;
	v3 =	vld [tilespmem:$0x380]  }
0x46: {  	[tilespmem:s4+$0x1880] =	vst v2;
	v2 =	vld [tilespmem:$0x390]  }
0x47: {  	v4 =	vld [tilespmem:$0x100]  }
0x48: {  	v5 =	vld [tilespmem:$0x110];
	_ =	sdelay $0x2  }
0x49: {  	v3 =	vperm.xlane v3, v0;
	v2 =	vperm.xlane v2, v0  }
0x4a: {  	s5 =	sor.u32 s5, s8  }
0x4b: {  	s5 =	sor.u32 $0x380, s5;
	v4 =	vperm.xlane v4, v1;
	v5 =	vperm.xlane v5, v1;
	v2 =	vsel vm0, v3, v2  }
0x4c: {  	[tilespmem:s5+$0x1800] =	vst v2  }
0x4d: {  	v2 =	vsel vm1, v4, v5;
	v3 =	vld [tilespmem:$0x400]  }
0x4e: {  	[tilespmem:s4+$0x1900] =	vst v2;
	v2 =	vld [tilespmem:$0x410]  }
0x4f: {  	v4 =	vld [tilespmem:$0x180]  }
0x50: {  	v5 =	vld [tilespmem:$0x190];
	_ =	sdelay $0x2  }
0x51: {  	v3 =	vperm.xlane v3, v0;
	v2 =	vperm.xlane v2, v0;
	_ =	sdelay $0x1  }
0x52: {  	v4 =	vperm.xlane v4, v1;
	v5 =	vperm.xlane v5, v1;
	v2 =	vsel vm0, v3, v2  }
0x53: {  	[tilespmem:s3+$0x3800] =	vst v2  }
0x54: {  	v2 =	vsel vm1, v4, v5;
	v3 =	vld [tilespmem:$0x480]  }
0x55: {  	[tilespmem:s4+$0x1980] =	vst v2;
	v2 =	vld [tilespmem:$0x490]  }
0x56: {  	v4 =	vld [tilespmem:$0x200]  }
0x57: {  	v5 =	vld [tilespmem:$0x210];
	_ =	sdelay $0x2  }
0x58: {  	v3 =	vperm.xlane v3, v0;
	v2 =	vperm.xlane v2, v0  }
0x59: {  	s25 =	simm.s32 $0x1020;
	vm0 =	vmmov vm0  }
0x5a: {  	s26 =	simm.s32 $0x1420;
	v6 =	vld [tilespmem:s25+$0x0];
	v4 =	vperm.xlane v4, v1;
	v5 =	vperm.xlane v5, v1;
	v2 =	vsel vm0, v3, v2  }
0x5b: {  	vm1 =	vmmov vm1;
	v3 =	vld [tilespmem:s26+$0x0];
	[tilespmem:s3+$0x3880] =	vst v2  }
0x5c: {  	v2 =	vsel vm1, v4, v5;
	v4 =	vld [tilespmem:$0x500]  }
0x5d: {  	[tilespmem:s4+$0x1A00] =	vst v2;
	v2 =	vld [tilespmem:$0x510]  }
0x5e: {  	v5 =	vld [tilespmem:$0x280]  }
0x5f: {  	v7 =	vld [tilespmem:$0x290]  }
0x60: {  	v8 =	vld [tilespmem:$0x0]  }
0x61: {  	v9 =	vld [tilespmem:$0x10]  }
0x62: {  	vm2 =	vgt.s32 v3, $0x0;
	v3 =	vperm.xlane v4, v0;
	v2 =	vperm.xlane v2, v0  }
0x63: {  	v4 =	vnsel vm2, $0x1A, v6  }
0x64: {  	v5 =	vperm.xlane v5, v1;
	v6 =	vperm.xlane v7, v1;
	v3 =	vsel vm0, v3, v2  }
0x65: {  	v2 =	vand.u32 $0xF, v4;
	[tilespmem:s3+$0x3900] =	vst v3  }
0x66: {  	s10 =	simm.s32 $0x20;
	s11 =	simm.s32 $0x100;
	v3 =	vperm.xlane v8, v2;
	v7 =	vperm.xlane v9, v2;
	v5 =	vsel vm1, v5, v6;
	v6 =	vld [tilespmem:$0x580]  }
0x67: {  	s28 =	sand.u32 $0x70, s10;
	s29 =	sand.u32 $0x1C00, s11;
	vm2 =	vlt.s32 v4, $0x10;
	[tilespmem:s4+$0x1A80] =	vst v5;
	v4 =	vld [tilespmem:$0x590]  }
0x68: {  	s5 =	sor.u32 s28, s29;
	v3 =	vsel vm2, v3, v7;
	v5 =	vld [tilespmem:$0x300]  }
0x69: {  	[tilespmem:s5+$0x1800] =	vst v3;
	v3 =	vld [tilespmem:$0x310]  }
0x6a: {  	v7 =	vld [tilespmem:$0x80]  }
0x6b: {  	v8 =	vld [tilespmem:$0x90]  }
0x6c: {  	v6 =	vperm.xlane v6, v0;
	v4 =	vperm.xlane v4, v0;
	_ =	sdelay $0x1  }
0x6d: {  	v5 =	vperm.xlane v5, v1;
	v3 =	vperm.xlane v3, v1;
	v4 =	vsel vm0, v6, v4  }
0x6e: {  	[tilespmem:s3+$0x3980] =	vst v4  }
0x6f: {  	v4 =	vperm.xlane v7, v2;
	v6 =	vperm.xlane v8, v2;
	v3 =	vsel vm1, v5, v3;
	v5 =	vld [tilespmem:$0x600]  }
0x70: {  	[tilespmem:s4+$0x1B00] =	vst v3;
	v3 =	vld [tilespmem:$0x610]  }
0x71: {  	v4 =	vsel vm2, v4, v6;
	v6 =	vld [tilespmem:$0x380]  }
0x72: {  	[tilespmem:s5+$0x1880] =	vst v4;
	v4 =	vld [tilespmem:$0x390]  }
0x73: {  	v7 =	vld [tilespmem:$0x100]  }
0x74: {  	v8 =	vld [tilespmem:$0x110]  }
0x75: {  	v5 =	vperm.xlane v5, v0;
	v3 =	vperm.xlane v3, v0;
	_ =	sdelay $0x1  }
0x76: {  	v6 =	vperm.xlane v6, v1;
	v4 =	vperm.xlane v4, v1;
	v3 =	vsel vm0, v5, v3  }
0x77: {  	s6 =	sor.u32 s23, s22;
	[tilespmem:s3+$0x3A00] =	vst v3  }
0x78: {  	s6 =	sor.u32 $0x380, s6;
	v5 =	vperm.xlane v8, v2;
	v3 =	vperm.xlane v7, v2;
	v4 =	vsel vm1, v6, v4;
	v6 =	vld [tilespmem:$0x680]  }
0x79: {  	[tilespmem:s6+$0x1800] =	vst v4;
	v4 =	vld [tilespmem:$0x690]  }
0x7a: {  	v3 =	vsel vm2, v3, v5;
	v5 =	vld [tilespmem:$0x400]  }
0x7b: {  	[tilespmem:s5+$0x1900] =	vst v3;
	v3 =	vld [tilespmem:$0x410]  }
0x7c: {  	v7 =	vld [tilespmem:$0x180]  }
0x7d: {  	v8 =	vld [tilespmem:$0x190]  }
0x7e: {  	v6 =	vperm.xlane v6, v0;
	v4 =	vperm.xlane v4, v0;
	_ =	sdelay $0x1  }
0x7f: {  	v5 =	vperm.xlane v5, v1;
	v3 =	vperm.xlane v3, v1;
	v4 =	vsel vm0, v6, v4  }
0x80: {  	[tilespmem:s3+$0x3A80] =	vst v4  }
0x81: {  	v4 =	vperm.xlane v7, v2;
	v6 =	vperm.xlane v8, v2;
	v3 =	vsel vm1, v5, v3;
	v5 =	vld [tilespmem:$0x700]  }
0x82: {  	[tilespmem:s4+$0x3800] =	vst v3;
	v3 =	vld [tilespmem:$0x710]  }
0x83: {  	v4 =	vsel vm2, v4, v6;
	v6 =	vld [tilespmem:$0x480]  }
0x84: {  	[tilespmem:s5+$0x1980] =	vst v4;
	v4 =	vld [tilespmem:$0x490]  }
0x85: {  	v7 =	vld [tilespmem:$0x200]  }
0x86: {  	v8 =	vld [tilespmem:$0x210]  }
0x87: {  	v5 =	vperm.xlane v5, v0;
	v3 =	vperm.xlane v3, v0  }
0x88: {  	s30 =	simm.s32 $0x1030;
	vm0 =	vmmov vm0  }
0x89: {  	s7 =	simm.s32 $0x1430;
	v9 =	vld [tilespmem:s30+$0x0];
	v6 =	vperm.xlane v6, v1;
	v4 =	vperm.xlane v4, v1;
	v3 =	vsel vm0, v5, v3  }
0x8a: {  	vm1 =	vmmov vm1;
	v5 =	vld [tilespmem:s7+$0x0];
	[tilespmem:s3+$0x3B00] =	vst v3  }
0x8b: {  	v3 =	vperm.xlane v7, v2;
	v7 =	vperm.xlane v8, v2;
	v4 =	vsel vm1, v6, v4;
	v6 =	vld [tilespmem:$0x780]  }
0x8c: {  	vm2 =	vmmov vm2;
	[tilespmem:s4+$0x3880] =	vst v4;
	v4 =	vld [tilespmem:$0x790]  }
0x8d: {  	v3 =	vsel vm2, v3, v7;
	v7 =	vld [tilespmem:$0x500]  }
0x8e: {  	[tilespmem:s5+$0x1A00] =	vst v3;
	v3 =	vld [tilespmem:$0x510]  }
0x8f: {  	v8 =	vld [tilespmem:$0x280]  }
0x90: {  	v10 =	vld [tilespmem:$0x290]  }
0x91: {  	v11 =	vld [tilespmem:$0x0];
	v6 =	vperm.xlane v6, v0;
	v4 =	vperm.xlane v4, v0  }
0x92: {  	vm3 =	vgt.s32 v5, $0x0;
	v5 =	vld [tilespmem:$0x10]  }
0x93: {  	v7 =	vperm.xlane v7, v1;
	v3 =	vperm.xlane v3, v1;
	v4 =	vsel vm0, v6, v4  }
0x94: {  	v6 =	vnsel vm3, $0x1A, v9;
	[tilespmem:s3+$0x3B80] =	vst v4  }
0x95: {  	v4 =	vperm.xlane v8, v2;
	v8 =	vperm.xlane v10, v2;
	v7 =	vsel vm1, v7, v3;
	v9 =	vld [tilespmem:$0x800]  }
0x96: {  	v3 =	vand.u32 $0xF, v6;
	[tilespmem:s4+$0x3900] =	vst v7;
	v7 =	vld [tilespmem:$0x810]  }
0x97: {  	s9 =	simm.s32 $0x180;
	s8 =	simm.s32 $0x30;
	v10 =	vperm.xlane v11, v3;
	v5 =	vperm.xlane v5, v3;
	v4 =	vsel vm2, v4, v8;
	v8 =	vld [tilespmem:$0x580]  }
0x98: {  	s12 =	sand.u32 $0x1C00, s9;
	s31 =	sand.u32 $0x70, s8;
	vm3 =	vlt.s32 v6, $0x10;
	[tilespmem:s5+$0x1A80] =	vst v4;
	v4 =	vld [tilespmem:$0x590]  }
0x99: {  	s6 =	sor.u32 s31, s12;
	v5 =	vsel vm3, v10, v5;
	v6 =	vld [tilespmem:$0x300]  }
0x9a: {  	[tilespmem:s6+$0x1800] =	vst v5;
	v5 =	vld [tilespmem:$0x310]  }
0x9b: {  	v10 =	vld [tilespmem:$0x80];
	v9 =	vperm.xlane v9, v0;
	v7 =	vperm.xlane v7, v0  }
0x9c: {  	v11 =	vld [tilespmem:$0x90]  }
0x9d: {  	v8 =	vperm.xlane v8, v1;
	v4 =	vperm.xlane v4, v1;
	v7 =	vsel vm0, v9, v7  }
0x9e: {  	[tilespmem:s3+$0x5800] =	vst v7  }
0x9f: {  	v6 =	vperm.xlane v6, v2;
	v5 =	vperm.xlane v5, v2;
	v4 =	vsel vm1, v8, v4;
	v7 =	vld [tilespmem:$0x880]  }
0xa0: {  	[tilespmem:s4+$0x3980] =	vst v4;
	v4 =	vld [tilespmem:$0x890]  }
0xa1: {  	v8 =	vperm.xlane v10, v3;
	v9 =	vperm.xlane v11, v3;
	v5 =	vsel vm2, v6, v5;
	v6 =	vld [tilespmem:$0x600]  }
0xa2: {  	[tilespmem:s5+$0x1B00] =	vst v5;
	v5 =	vld [tilespmem:$0x610]  }
0xa3: {  	v8 =	vsel vm3, v8, v9;
	v9 =	vld [tilespmem:$0x380]  }
0xa4: {  	[tilespmem:s6+$0x1880] =	vst v8;
	v8 =	vld [tilespmem:$0x390]  }
0xa5: {  	v10 =	vld [tilespmem:$0x100];
	v7 =	vperm.xlane v7, v0;
	v4 =	vperm.xlane v4, v0  }
0xa6: {  	v11 =	vld [tilespmem:$0x110]  }
0xa7: {  	v6 =	vperm.xlane v6, v1;
	v5 =	vperm.xlane v5, v1;
	v4 =	vsel vm0, v7, v4  }
0xa8: {  	[tilespmem:s3+$0x5880] =	vst v4  }
0xa9: {  	v4 =	vperm.xlane v9, v2;
	v7 =	vperm.xlane v8, v2;
	v5 =	vsel vm1, v6, v5;
	v6 =	vld [tilespmem:$0x900]  }
0xaa: {  	s10 =	sor.u32 s11, s10;
	[tilespmem:s4+$0x3A00] =	vst v5;
	v5 =	vld [tilespmem:$0x910]  }
0xab: {  	s10 =	sor.u32 $0x380, s10;
	v8 =	vperm.xlane v10, v3;
	v9 =	vperm.xlane v11, v3;
	v4 =	vsel vm2, v4, v7;
	v7 =	vld [tilespmem:$0x680]  }
0xac: {  	[tilespmem:s10+$0x1800] =	vst v4;
	v4 =	vld [tilespmem:$0x690]  }
0xad: {  	v8 =	vsel vm3, v8, v9;
	v9 =	vld [tilespmem:$0x400]  }
0xae: {  	[tilespmem:s6+$0x1900] =	vst v8;
	v8 =	vld [tilespmem:$0x410]  }
0xaf: {  	v10 =	vld [tilespmem:$0x180];
	v6 =	vperm.xlane v6, v0;
	v5 =	vperm.xlane v5, v0  }
0xb0: {  	v11 =	vld [tilespmem:$0x190]  }
0xb1: {  	v7 =	vperm.xlane v7, v1;
	v4 =	vperm.xlane v4, v1;
	v5 =	vsel vm0, v6, v5  }
0xb2: {  	[tilespmem:s3+$0x5900] =	vst v5  }
0xb3: {  	v6 =	vperm.xlane v8, v2;
	v5 =	vperm.xlane v9, v2;
	v4 =	vsel vm1, v7, v4;
	v12 =	vld [tilespmem:$0x980]  }
0xb4: {  	[tilespmem:s4+$0x3A80] =	vst v4;
	v13 =	vld [tilespmem:$0x990]  }
0xb5: {  	v8 =	vperm.xlane v11, v3;
	v4 =	vperm.xlane v10, v3;
	v5 =	vsel vm2, v5, v6;
	v6 =	vld [tilespmem:$0x700]  }
0xb6: {  	v7 =	vld [tilespmem:$0x710];
	[tilespmem:s5+$0x3800] =	vst v5  }
0xb7: {  	v4 =	vsel vm3, v4, v8;
	v8 =	vld [tilespmem:$0x480]  }
0xb8: {  	[tilespmem:s6+$0x1980] =	vst v4;
	v9 =	vld [tilespmem:$0x490]  }
0xb9: {  	v10 =	vld [tilespmem:$0x200];
	v4 =	vperm.xlane v12, v0;
	v5 =	vperm.xlane v13, v0  }
0xba: {  	s11 =	simm.s32 $0x180;
	s12 =	simm.s32 $0x1040;
	s10 =	simm.s32 $0x30;
	vm0 =	vmmov vm0;
	vm1 =	vmmov vm1;
	vm2 =	vmmov vm2;
	v11 =	vld [tilespmem:$0x210]  }
.LBB2_1:
0xbb: {  	v12 =	vld [tilespmem:s12+$0x0];
	s7 =	sadd.s32 $0x10, s7;
	v6 =	vperm.xlane v6, v1;
	v7 =	vperm.xlane v7, v1;
	v4 =	vsel vm0, v4, v5;
	s13 =	smov.u32 s5;
	s5 =	smov.u32 s6  }
0xbc: {  	vm4 =	vmmov vm3;
	v5 =	vld [tilespmem:s7+$0x0];
	[tilespmem:s3+$0x5980] =	vst v4  }
0xbd: {  	v4 =	vperm.xlane v8, v2;
	v8 =	vperm.xlane v9, v2;
	v6 =	vsel vm1, v6, v7;
	v7 =	vld [tilespmem:$0xA00]  }
0xbe: {  	[tilespmem:s4+$0x3B00] =	vst v6;
	v6 =	vld [tilespmem:$0xA10]  }
0xbf: {  	v9 =	vperm.xlane v10, v3;
	v10 =	vperm.xlane v11, v3;
	v4 =	vsel vm2, v4, v8;
	v8 =	vld [tilespmem:$0x780]  }
0xc0: {  	[tilespmem:s13+$0x3880] =	vst v4;
	v4 =	vld [tilespmem:$0x790]  }
0xc1: {  	v9 =	vsel vm4, v9, v10;
	v10 =	vld [tilespmem:$0x500]  }
0xc2: {  	[tilespmem:s5+$0x1A00] =	vst v9;
	v9 =	vld [tilespmem:$0x510]  }
0xc3: {  	v7 =	vperm.xlane v7, v0;
	v11 =	vld [tilespmem:$0x280];
	v6 =	vperm.xlane v6, v0  }
0xc4: {  	v13 =	vld [tilespmem:$0x290]  }
0xc5: {  	v8 =	vperm.xlane v8, v1;
	v14 =	vld [tilespmem:$0x0];
	v4 =	vperm.xlane v4, v1;
	v6 =	vsel vm0, v7, v6  }
0xc6: {  	vm3 =	vgt.s32 v5, $0x0;
	v5 =	vld [tilespmem:$0x10];
	[tilespmem:s3+$0x5A00] =	vst v6  }
0xc7: {  	v6 =	vperm.xlane v10, v2;
	v7 =	vperm.xlane v9, v2;
	v4 =	vsel vm1, v8, v4;
	v8 =	vld [tilespmem:$0xA80]  }
0xc8: {  	v9 =	vnsel vm3, $0x1A, v12;
	[tilespmem:s4+$0x3B80] =	vst v4;
	v10 =	vld [tilespmem:$0xA90]  }
0xc9: {  	v11 =	vperm.xlane v11, v3;
	v12 =	vperm.xlane v13, v3;
	v6 =	vsel vm2, v6, v7;
	v7 =	vld [tilespmem:$0x800]  }
0xca: {  	v4 =	vand.u32 $0xF, v9;
	[tilespmem:s13+$0x3900] =	vst v6;
	v6 =	vld [tilespmem:$0x810]  }
0xcb: {  	s8 =	sadd.s32 $0x10, s8;
	s9 =	sadd.s32 $0x80, s9;
	v13 =	vperm.xlane v14, v4;
	v5 =	vperm.xlane v5, v4;
	v11 =	vsel vm4, v11, v12;
	v12 =	vld [tilespmem:$0x580]  }
0xcc: {  	s6 =	sand.u32 $0x70, s8;
	s14 =	sand.u32 $0x1C00, s9;
	p0 =	slt.u32 s8, $0x3F0;
	vm3 =	vlt.s32 v9, $0x10;
	[tilespmem:s5+$0x1A80] =	vst v11;
	v9 =	vld [tilespmem:$0x590]  }
0xcd: {  	s6 =	sor.u32 s6, s14;
	v8 =	vperm.xlane v8, v0;
	v5 =	vsel vm3, v13, v5;
	v11 =	vld [tilespmem:$0x300];
	v10 =	vperm.xlane v10, v0  }
0xce: {  	[tilespmem:s6+$0x1800] =	vst v5;
	v5 =	vld [tilespmem:$0x310]  }
0xcf: {  	v7 =	vperm.xlane v7, v1;
	v13 =	vld [tilespmem:$0x80];
	v6 =	vperm.xlane v6, v1;
	v8 =	vsel vm0, v8, v10  }
0xd0: {  	v10 =	vld [tilespmem:$0x90];
	[tilespmem:s3+$0x5A80] =	vst v8  }
0xd1: {  	v8 =	vperm.xlane v12, v2;
	v9 =	vperm.xlane v9, v2;
	v6 =	vsel vm1, v7, v6;
	v7 =	vld [tilespmem:$0xB00]  }
0xd2: {  	[tilespmem:s4+$0x5800] =	vst v6;
	v6 =	vld [tilespmem:$0xB10]  }
0xd3: {  	v11 =	vperm.xlane v11, v3;
	v5 =	vperm.xlane v5, v3;
	v8 =	vsel vm2, v8, v9;
	v9 =	vld [tilespmem:$0x880]  }
0xd4: {  	[tilespmem:s13+$0x3980] =	vst v8;
	v8 =	vld [tilespmem:$0x890]  }
0xd5: {  	v12 =	vperm.xlane v13, v4;
	v10 =	vperm.xlane v10, v4;
	v5 =	vsel vm4, v11, v5;
	v11 =	vld [tilespmem:$0x600]  }
0xd6: {  	[tilespmem:s5+$0x1B00] =	vst v5;
	v5 =	vld [tilespmem:$0x610]  }
0xd7: {  	v7 =	vperm.xlane v7, v0;
	v10 =	vsel vm3, v12, v10;
	v12 =	vld [tilespmem:$0x380];
	v6 =	vperm.xlane v6, v0  }
0xd8: {  	[tilespmem:s6+$0x1880] =	vst v10;
	v10 =	vld [tilespmem:$0x390]  }
0xd9: {  	v9 =	vperm.xlane v9, v1;
	v13 =	vld [tilespmem:$0x100];
	v8 =	vperm.xlane v8, v1;
	v6 =	vsel vm0, v7, v6  }
0xda: {  	v7 =	vld [tilespmem:$0x110];
	[tilespmem:s3+$0x5B00] =	vst v6  }
0xdb: {  	v6 =	vperm.xlane v11, v2;
	v5 =	vperm.xlane v5, v2;
	v8 =	vsel vm1, v9, v8;
	v9 =	vld [tilespmem:$0xB80]  }
0xdc: {  	[tilespmem:s4+$0x5880] =	vst v8;
	v8 =	vld [tilespmem:$0xB90]  }
0xdd: {  	v11 =	vperm.xlane v12, v3;
	v10 =	vperm.xlane v10, v3;
	v5 =	vsel vm2, v6, v5;
	v6 =	vld [tilespmem:$0x900]  }
0xde: {  	s14 =	sor.u32 s11, s10;
	s10 =	smov.u32 s8;
	s11 =	smov.u32 s9;
	[tilespmem:s13+$0x3A00] =	vst v5;
	v5 =	vld [tilespmem:$0x910]  }
0xdf: {  	s14 =	sor.u32 $0x380, s14;
	v12 =	vperm.xlane v13, v4;
	v7 =	vperm.xlane v7, v4;
	v10 =	vsel vm4, v11, v10;
	v11 =	vld [tilespmem:$0x680]  }
0xe0: {  	[tilespmem:s14+$0x1800] =	vst v10;
	v10 =	vld [tilespmem:$0x690]  }
0xe1: {  	v9 =	vperm.xlane v9, v0;
	v7 =	vsel vm3, v12, v7;
	v12 =	vld [tilespmem:$0x400];
	v8 =	vperm.xlane v8, v0  }
0xe2: {  	[tilespmem:s6+$0x1900] =	vst v7;
	v7 =	vld [tilespmem:$0x410]  }
0xe3: {  	v6 =	vperm.xlane v6, v1;
	v13 =	vld [tilespmem:$0x180];
	v5 =	vperm.xlane v5, v1;
	v8 =	vsel vm0, v9, v8  }
0xe4: {  	v9 =	vld [tilespmem:$0x190];
	[tilespmem:s3+$0x5B80] =	vst v8  }
0xe5: {  	v8 =	vperm.xlane v11, v2;
	v10 =	vperm.xlane v10, v2;
	v5 =	vsel vm1, v6, v5;
	v11 =	vld [tilespmem:$0xC00]  }
0xe6: {  	[tilespmem:s4+$0x5900] =	vst v5;
	v5 =	vld [tilespmem:$0xC10]  }
0xe7: {  	v6 =	vperm.xlane v12, v3;
	v7 =	vperm.xlane v7, v3;
	v8 =	vsel vm2, v8, v10;
	v12 =	vld [tilespmem:$0x980]  }
0xe8: {  	[tilespmem:s13+$0x3A80] =	vst v8;
	v14 =	vld [tilespmem:$0x990]  }
0xe9: {  	v8 =	vperm.xlane v13, v4;
	v9 =	vperm.xlane v9, v4;
	v7 =	vsel vm4, v6, v7;
	v6 =	vld [tilespmem:$0x700]  }
.Ltmp0:
0xea: {  	[tilespmem:s5+$0x3800] =	vst v7;
	v7 =	vld [tilespmem:$0x710];
	(pc) =	sbr.rel @p0 .LBB2_1-.Ltmp0, $4  }
0xeb: {  	v11 =	vperm.xlane v11, v0;
	v9 =	vsel vm3, v8, v9;
	v8 =	vld [tilespmem:$0x480];
	v13 =	vperm.xlane v5, v0;
	v0 =	vmovc v1  }
0xec: {  	v1 =	vmov v2;
	v2 =	vmov v3;
	v3 =	vmov v4;
	[tilespmem:s6+$0x1980] =	vst v9;
	v9 =	vld [tilespmem:$0x490]  }
0xed: {  	v4 =	vperm.xlane v12, v0;
	v10 =	vld [tilespmem:$0x200];
	v5 =	vperm.xlane v14, v0;
	v12 =	vsel vm0, v11, v13  }
0xee: {  	s12 =	sadd.s32 $0x10, s12;
	vm0 =	vmmov vm1;
	vm1 =	vmmov vm2;
	vm2 =	vmmov vm4;
	v11 =	vld [tilespmem:$0x210];
	[tilespmem:s3+$0x7800] =	vst v12;
	s3 =	smov.u32 s4;
	s4 =	smov.u32 s13  }
0xef: {  	_ =	sdelay $0x3  }
0xf0: {  	v10 =	vperm.xlane v10, v3;
	v11 =	vperm.xlane v11, v3  }
0xf1: {  	vm3 =	vmmov vm3  }
0xf2: {  	v10 =	vsel vm3, v10, v11  }
0xf3: {  	[tilespmem:s6+$0x1A00] =	vst v10  }
0xf4: {  	v10 =	vld [tilespmem:$0x280]  }
0xf5: {  	v13 =	vld [tilespmem:$0x290];
	_ =	sdelay $0x4  }
0xf6: {  	v10 =	vperm.xlane v10, v3;
	v11 =	vperm.xlane v13, v3;
	_ =	sdelay $0x1  }
0xf7: {  	v10 =	vsel vm3, v10, v11  }
0xf8: {  	[tilespmem:s6+$0x1A80] =	vst v10  }
0xf9: {  	v10 =	vld [tilespmem:$0x300]  }
0xfa: {  	v14 =	vld [tilespmem:$0x310];
	_ =	sdelay $0x4  }
0xfb: {  	v10 =	vperm.xlane v10, v3;
	v11 =	vperm.xlane v14, v3;
	_ =	sdelay $0x1  }
0xfc: {  	v10 =	vsel vm3, v10, v11  }
0xfd: {  	[tilespmem:s6+$0x1B00] =	vst v10  }
0xfe: {  	v10 =	vld [tilespmem:$0x380]  }
0xff: {  	v15 =	vld [tilespmem:$0x390];
	_ =	sdelay $0x4  }
0x100: {  	v10 =	vperm.xlane v10, v3;
	v11 =	vperm.xlane v15, v3  }
0x101: {  	s7 =	sor.u32 s11, s10  }
0x102: {  	s7 =	sor.u32 $0x380, s7;
	v10 =	vsel vm3, v10, v11  }
0x103: {  	[tilespmem:s7+$0x1800] =	vst v10  }
0x104: {  	v10 =	vld [tilespmem:$0x400]  }
0x105: {  	v16 =	vld [tilespmem:$0x410];
	_ =	sdelay $0x4  }
0x106: {  	v10 =	vperm.xlane v10, v3;
	v11 =	vperm.xlane v16, v3;
	_ =	sdelay $0x1  }
0x107: {  	v10 =	vsel vm3, v10, v11  }
0x108: {  	[tilespmem:s6+$0x3800] =	vst v10  }
0x109: {  	v10 =	vld [tilespmem:$0x480]  }
0x10a: {  	v17 =	vld [tilespmem:$0x490];
	_ =	sdelay $0x2  }
0x10b: {  	v8 =	vperm.xlane v8, v2;
	v9 =	vperm.xlane v9, v2;
	_ =	sdelay $0x1  }
0x10c: {  	v8 =	vsel vm2, v8, v9;
	v18 =	vperm.xlane v10, v3;
	v19 =	vperm.xlane v17, v3  }
0x10d: {  	[tilespmem:s5+$0x3880] =	vst v8;
	vm3 =	vmmov vm3  }
0x10e: {  	v8 =	vld [tilespmem:$0x500];
	v9 =	vsel vm3, v18, v19  }
0x10f: {  	v20 =	vld [tilespmem:$0x510];
	[tilespmem:s6+$0x3880] =	vst v9  }
0x110: {  	v9 =	vld [tilespmem:$0x500]  }
0x111: {  	v21 =	vld [tilespmem:$0x510];
	_ =	sdelay $0x2  }
0x112: {  	v8 =	vperm.xlane v8, v2;
	v10 =	vperm.xlane v20, v2;
	_ =	sdelay $0x1  }
0x113: {  	v8 =	vsel vm2, v8, v10;
	v9 =	vperm.xlane v9, v3;
	v22 =	vperm.xlane v21, v3  }
0x114: {  	[tilespmem:s5+$0x3900] =	vst v8  }
0x115: {  	v8 =	vld [tilespmem:$0x580];
	v9 =	vsel vm3, v9, v22  }
0x116: {  	v23 =	vld [tilespmem:$0x590];
	[tilespmem:s6+$0x3900] =	vst v9  }
0x117: {  	v9 =	vld [tilespmem:$0x580]  }
0x118: {  	v24 =	vld [tilespmem:$0x590];
	_ =	sdelay $0x2  }
0x119: {  	v8 =	vperm.xlane v8, v2;
	v10 =	vperm.xlane v23, v2;
	_ =	sdelay $0x1  }
0x11a: {  	v8 =	vsel vm2, v8, v10;
	v9 =	vperm.xlane v9, v3;
	v25 =	vperm.xlane v24, v3  }
0x11b: {  	[tilespmem:s5+$0x3980] =	vst v8  }
0x11c: {  	v8 =	vld [tilespmem:$0x600];
	v9 =	vsel vm3, v9, v25  }
0x11d: {  	v26 =	vld [tilespmem:$0x610];
	[tilespmem:s6+$0x3980] =	vst v9  }
0x11e: {  	v9 =	vld [tilespmem:$0x600]  }
0x11f: {  	v27 =	vld [tilespmem:$0x610];
	_ =	sdelay $0x2  }
0x120: {  	v8 =	vperm.xlane v8, v2;
	v10 =	vperm.xlane v26, v2;
	_ =	sdelay $0x1  }
0x121: {  	v8 =	vsel vm2, v8, v10;
	v9 =	vperm.xlane v9, v3;
	v28 =	vperm.xlane v27, v3  }
0x122: {  	[tilespmem:s5+$0x3A00] =	vst v8  }
0x123: {  	v8 =	vld [tilespmem:$0x680];
	v9 =	vsel vm3, v9, v28  }
0x124: {  	v29 =	vld [tilespmem:$0x690];
	[tilespmem:s6+$0x3A00] =	vst v9  }
0x125: {  	v9 =	vld [tilespmem:$0x680]  }
0x126: {  	v30 =	vld [tilespmem:$0x690];
	_ =	sdelay $0x2  }
0x127: {  	v8 =	vperm.xlane v8, v2;
	v10 =	vperm.xlane v29, v2;
	_ =	sdelay $0x1  }
0x128: {  	v8 =	vsel vm2, v8, v10;
	v9 =	vperm.xlane v9, v3;
	v31 =	vperm.xlane v30, v3  }
0x129: {  	[tilespmem:s5+$0x3A80] =	vst v8  }
0x12a: {  	v8 =	vld [tilespmem:$0x700];
	v9 =	vsel vm3, v9, v31  }
0x12b: {  	v32 =	vld [tilespmem:$0x710];
	[tilespmem:s6+$0x3A80] =	vst v9  }
0x12c: {  	v9 =	vld [tilespmem:$0x700]  }
0x12d: {  	v33 =	vld [tilespmem:$0x710]  }
0x12e: {  	v6 =	vperm.xlane v6, v1;
	v7 =	vperm.xlane v7, v1;
	_ =	sdelay $0x1  }
0x12f: {  	v6 =	vsel vm1, v6, v7;
	v34 =	vperm.xlane v8, v2;
	v35 =	vperm.xlane v32, v2  }
0x130: {  	vm14 =	vmmov vm2;
	[tilespmem:s4+$0x3B00] =	vst v6  }
0x131: {  	v6 =	vld [tilespmem:$0x780];
	v7 =	vsel vm14, v34, v35;
	v36 =	vperm.xlane v9, v3;
	v37 =	vperm.xlane v33, v3  }
0x132: {  	v38 =	vld [tilespmem:$0x790];
	vm3 =	vmmov vm3;
	[tilespmem:s5+$0x3B00] =	vst v7  }
0x133: {  	v7 =	vld [tilespmem:$0x780];
	v8 =	vsel vm3, v36, v37  }
0x134: {  	v39 =	vld [tilespmem:$0x790];
	[tilespmem:s6+$0x3B00] =	vst v8  }
0x135: {  	v8 =	vld [tilespmem:$0x780]  }
0x136: {  	v40 =	vld [tilespmem:$0x790]  }
0x137: {  	v6 =	vperm.xlane v6, v1;
	v10 =	vperm.xlane v38, v1;
	_ =	sdelay $0x1  }
0x138: {  	v6 =	vsel vm1, v6, v10;
	v7 =	vperm.xlane v7, v2;
	v9 =	vperm.xlane v39, v2  }
0x139: {  	[tilespmem:s4+$0x3B80] =	vst v6  }
0x13a: {  	v6 =	vld [tilespmem:$0x800];
	v7 =	vsel vm14, v7, v9;
	v8 =	vperm.xlane v8, v3;
	v41 =	vperm.xlane v40, v3  }
0x13b: {  	v42 =	vld [tilespmem:$0x810];
	[tilespmem:s5+$0x3B80] =	vst v7  }
0x13c: {  	v7 =	vld [tilespmem:$0x800];
	v8 =	vsel vm3, v8, v41  }
0x13d: {  	v43 =	vld [tilespmem:$0x810];
	[tilespmem:s6+$0x3B80] =	vst v8  }
0x13e: {  	v8 =	vld [tilespmem:$0x800]  }
0x13f: {  	v44 =	vld [tilespmem:$0x810]  }
0x140: {  	v6 =	vperm.xlane v6, v1;
	v10 =	vperm.xlane v42, v1;
	_ =	sdelay $0x1  }
0x141: {  	v6 =	vsel vm1, v6, v10;
	v7 =	vperm.xlane v7, v2;
	v9 =	vperm.xlane v43, v2  }
0x142: {  	[tilespmem:s4+$0x5800] =	vst v6  }
0x143: {  	v6 =	vld [tilespmem:$0x880];
	v7 =	vsel vm14, v7, v9;
	v8 =	vperm.xlane v8, v3;
	v45 =	vperm.xlane v44, v3  }
0x144: {  	v46 =	vld [tilespmem:$0x890];
	[tilespmem:s5+$0x5800] =	vst v7  }
0x145: {  	v7 =	vld [tilespmem:$0x880];
	v8 =	vsel vm3, v8, v45  }
0x146: {  	v47 =	vld [tilespmem:$0x890];
	[tilespmem:s6+$0x5800] =	vst v8  }
0x147: {  	v8 =	vld [tilespmem:$0x880]  }
0x148: {  	v48 =	vld [tilespmem:$0x890]  }
0x149: {  	v6 =	vperm.xlane v6, v1;
	v10 =	vperm.xlane v46, v1;
	_ =	sdelay $0x1  }
0x14a: {  	v6 =	vsel vm1, v6, v10;
	v7 =	vperm.xlane v7, v2;
	v9 =	vperm.xlane v47, v2  }
0x14b: {  	[tilespmem:s4+$0x5880] =	vst v6  }
0x14c: {  	v6 =	vld [tilespmem:$0x900];
	v7 =	vsel vm14, v7, v9;
	v8 =	vperm.xlane v8, v3;
	v49 =	vperm.xlane v48, v3  }
0x14d: {  	v50 =	vld [tilespmem:$0x910];
	[tilespmem:s5+$0x5880] =	vst v7  }
0x14e: {  	v7 =	vld [tilespmem:$0x900];
	v8 =	vsel vm3, v8, v49  }
0x14f: {  	v51 =	vld [tilespmem:$0x910];
	[tilespmem:s6+$0x5880] =	vst v8  }
0x150: {  	v8 =	vld [tilespmem:$0x900]  }
0x151: {  	v52 =	vld [tilespmem:$0x910]  }
0x152: {  	v6 =	vperm.xlane v6, v1;
	v10 =	vperm.xlane v50, v1;
	_ =	sdelay $0x1  }
0x153: {  	v6 =	vsel vm1, v6, v10;
	v7 =	vperm.xlane v7, v2;
	v9 =	vperm.xlane v51, v2  }
0x154: {  	[tilespmem:s4+$0x5900] =	vst v6  }
0x155: {  	v6 =	vld [tilespmem:$0x980];
	v7 =	vsel vm14, v7, v9;
	v8 =	vperm.xlane v8, v3;
	v53 =	vperm.xlane v52, v3  }
0x156: {  	v54 =	vld [tilespmem:$0x990];
	[tilespmem:s5+$0x5900] =	vst v7  }
0x157: {  	v7 =	vld [tilespmem:$0x980];
	v8 =	vsel vm3, v8, v53  }
0x158: {  	v55 =	vld [tilespmem:$0x990];
	[tilespmem:s6+$0x5900] =	vst v8  }
0x159: {  	v8 =	vld [tilespmem:$0x980]  }
0x15a: {  	v56 =	vld [tilespmem:$0x990]  }
0x15b: {  	v4 =	vsel vm0, v4, v5;
	v57 =	vperm.xlane v6, v1;
	v58 =	vperm.xlane v54, v1  }
0x15c: {  	vm15 =	vmmov vm1;
	[tilespmem:s3+$0x5980] =	vst v4  }
0x15d: {  	v4 =	vld [tilespmem:$0xA00];
	v5 =	vsel vm15, v57, v58;
	v59 =	vperm.xlane v7, v2;
	v60 =	vperm.xlane v55, v2  }
0x15e: {  	v61 =	vld [tilespmem:$0xA10];
	vm2 =	vmmov vm14;
	[tilespmem:s4+$0x5980] =	vst v5  }
0x15f: {  	v5 =	vld [tilespmem:$0xA00];
	v6 =	vsel vm2, v59, v60;
	v62 =	vperm.xlane v8, v3;
	v63 =	vperm.xlane v56, v3  }
0x160: {  	v12 =	vld [tilespmem:$0xA10];
	vm3 =	vmmov vm3;
	[tilespmem:s5+$0x5980] =	vst v6  }
0x161: {  	v6 =	vld [tilespmem:$0xA00];
	v7 =	vsel vm3, v62, v63  }
0x162: {  	v13 =	vld [tilespmem:$0xA10];
	[tilespmem:s6+$0x5980] =	vst v7  }
0x163: {  	v4 =	vperm.xlane v4, v0;
	v14 =	vperm.xlane v61, v0;
	v15 =	vld [tilespmem:$0xA00]  }
0x164: {  	v16 =	vld [tilespmem:$0xA10]  }
0x165: {  	v4 =	vsel vm0, v4, v14;
	v5 =	vperm.xlane v5, v1;
	v17 =	vperm.xlane v12, v1  }
0x166: {  	[tilespmem:s3+$0x5A00] =	vst v4  }
0x167: {  	v4 =	vld [tilespmem:$0xA80];
	v5 =	vsel vm15, v5, v17;
	v6 =	vperm.xlane v6, v2;
	v18 =	vperm.xlane v13, v2  }
0x168: {  	v19 =	vld [tilespmem:$0xA90];
	[tilespmem:s4+$0x5A00] =	vst v5  }
0x169: {  	v5 =	vld [tilespmem:$0xA80];
	v6 =	vsel vm2, v6, v18;
	v20 =	vperm.xlane v15, v3;
	v21 =	vperm.xlane v16, v3  }
0x16a: {  	v22 =	vld [tilespmem:$0xA90];
	[tilespmem:s5+$0x5A00] =	vst v6  }
0x16b: {  	v6 =	vld [tilespmem:$0xA80];
	v7 =	vsel vm3, v20, v21  }
0x16c: {  	v23 =	vld [tilespmem:$0xA90];
	[tilespmem:s6+$0x5A00] =	vst v7  }
0x16d: {  	v4 =	vperm.xlane v4, v0;
	v24 =	vperm.xlane v19, v0;
	v25 =	vld [tilespmem:$0xA80]  }
0x16e: {  	v26 =	vld [tilespmem:$0xA90]  }
0x16f: {  	v4 =	vsel vm0, v4, v24;
	v5 =	vperm.xlane v5, v1;
	v27 =	vperm.xlane v22, v1  }
0x170: {  	[tilespmem:s3+$0x5A80] =	vst v4  }
0x171: {  	v4 =	vld [tilespmem:$0xB00];
	v5 =	vsel vm15, v5, v27;
	v6 =	vperm.xlane v6, v2;
	v28 =	vperm.xlane v23, v2  }
0x172: {  	v29 =	vld [tilespmem:$0xB10];
	[tilespmem:s4+$0x5A80] =	vst v5  }
0x173: {  	v5 =	vld [tilespmem:$0xB00];
	v6 =	vsel vm2, v6, v28;
	v30 =	vperm.xlane v25, v3;
	v31 =	vperm.xlane v26, v3  }
0x174: {  	v32 =	vld [tilespmem:$0xB10];
	[tilespmem:s5+$0x5A80] =	vst v6  }
0x175: {  	v6 =	vld [tilespmem:$0xB00];
	v7 =	vsel vm3, v30, v31  }
0x176: {  	v33 =	vld [tilespmem:$0xB10];
	[tilespmem:s6+$0x5A80] =	vst v7  }
0x177: {  	v4 =	vperm.xlane v4, v0;
	v34 =	vperm.xlane v29, v0;
	v35 =	vld [tilespmem:$0xB00]  }
0x178: {  	v36 =	vld [tilespmem:$0xB10]  }
0x179: {  	v4 =	vsel vm0, v4, v34;
	v5 =	vperm.xlane v5, v1;
	v37 =	vperm.xlane v32, v1  }
0x17a: {  	[tilespmem:s3+$0x5B00] =	vst v4  }
0x17b: {  	v4 =	vld [tilespmem:$0xB80];
	v5 =	vsel vm15, v5, v37;
	v6 =	vperm.xlane v6, v2;
	v38 =	vperm.xlane v33, v2  }
0x17c: {  	v39 =	vld [tilespmem:$0xB90];
	[tilespmem:s4+$0x5B00] =	vst v5  }
0x17d: {  	v5 =	vld [tilespmem:$0xB80];
	v6 =	vsel vm2, v6, v38;
	v40 =	vperm.xlane v35, v3;
	v41 =	vperm.xlane v36, v3  }
0x17e: {  	v42 =	vld [tilespmem:$0xB90];
	[tilespmem:s5+$0x5B00] =	vst v6  }
0x17f: {  	v6 =	vld [tilespmem:$0xB80];
	v7 =	vsel vm3, v40, v41  }
0x180: {  	v43 =	vld [tilespmem:$0xB90];
	[tilespmem:s6+$0x5B00] =	vst v7  }
0x181: {  	v4 =	vperm.xlane v4, v0;
	v44 =	vperm.xlane v39, v0;
	v45 =	vld [tilespmem:$0xB80]  }
0x182: {  	v46 =	vld [tilespmem:$0xB90]  }
0x183: {  	v4 =	vsel vm0, v4, v44;
	v5 =	vperm.xlane v5, v1;
	v47 =	vperm.xlane v42, v1  }
0x184: {  	[tilespmem:s3+$0x5B80] =	vst v4  }
0x185: {  	v4 =	vld [tilespmem:$0xC00];
	v5 =	vsel vm15, v5, v47;
	v6 =	vperm.xlane v6, v2;
	v48 =	vperm.xlane v43, v2  }
0x186: {  	v49 =	vld [tilespmem:$0xC10];
	[tilespmem:s4+$0x5B80] =	vst v5  }
0x187: {  	v5 =	vld [tilespmem:$0xC00];
	v6 =	vsel vm2, v6, v48;
	v50 =	vperm.xlane v45, v3;
	v51 =	vperm.xlane v46, v3  }
0x188: {  	v52 =	vld [tilespmem:$0xC10];
	[tilespmem:s5+$0x5B80] =	vst v6  }
0x189: {  	v6 =	vld [tilespmem:$0xC00];
	v7 =	vsel vm3, v50, v51  }
0x18a: {  	v53 =	vld [tilespmem:$0xC10];
	[tilespmem:s6+$0x5B80] =	vst v7  }
0x18b: {  	v7 =	vld [tilespmem:$0xC00]  }
0x18c: {  	v54 =	vld [tilespmem:$0xC10];
	_ =	sdelay $0x1  }
0x18d: {  	v4 =	vperm.xlane v4, v0;
	v55 =	vperm.xlane v49, v0  }
0x18e: {  	v5 =	vperm.xlane v5, v1;
	v56 =	vperm.xlane v52, v1  }
0x18f: {  	v0 =	vsel vm0, v4, v55;
	v57 =	vperm.xlane v6, v2;
	v58 =	vperm.xlane v53, v2  }
0x190: {  	[tilespmem:s3+$0x7800] =	vst v0;
	v59 =	vsel vm15, v5, v56;
	v60 =	vperm.xlane v7, v3;
	v61 =	vperm.xlane v54, v3  }
0x191: {  	[tilespmem:s4+$0x7800] =	vst v59;
	v62 =	vsel vm2, v57, v58  }
0x192: {  	s26 =	sshll.u32 s1, $0xA;
	s28 =	simm.s32 $0x2000;
	s29 =	simm.s32 $0x20000;
	[tilespmem:s5+$0x7800] =	vst v62;
	v63 =	vsel vm3, v60, v61  }
0x193: {  	s30 =	simm.s32 $0x1800;
	s31 =	simm.s32 $0x2;
	s2 =	sadd.s32 s2, s26;
	[tilespmem:s6+$0x7800] =	vst v63  }
0x194: {  	[hbm4b:s2+s28] =	stream.strided.scatter [tilespmem:s30], [sflag:$0x2], $0x8000, s29, s28, $0x38;
	[tilespmem:$0x9800] =	vst v63  }
0x195: {  	_ =	swait.ge [sflag:s31], $0x8000  }
0x196: {  	[sflag:s31] =	ssyncset.done $0x0  }
0x197: {  	[sflag:s31] =	ssyncadd.s32 $0xFFFF8000  }
0x198: {  	_ =	sfence.sel $0x180000  }
0x199: {  	[bflag:$0x0] =	sbarrier.arrive $0xFFFF  }
0x19a: {  	p0 =	sne.s32 s1, $0x0;
	_ =	strace $0x90000047  }
0x19b: {  	s0 =	sadd.s32 @!p0 $0x100000, s0;
	[bflag:$0x2] =	sbarrier.arrive $0xFFFF  }
0x19c: {  	[sflag:s0] =	ssyncadd.tile.s32 @!p0 $0x1;
	_ =	shalt  }
.Lfunc_end2:
_tile_overlayer_lowered:
.L_overlay_start_2:
0x19d: {  	(tag) =	ssettag $0x2  }
0x19e: {  	s0 =	rddreg [dreg:$0x0];
	s2 =	stileid.u32  }
0x19f: {  	s1 =	rddreg [dreg:$0x1];
	p0 =	sne.s32 s2, $0x0  }
0x1a0: {  	s3 =	rddreg [dreg:$0x2];
	[bflag:$0x3] =	sbarrier.arrive $0xFFFF;
	s2 =	simm.s32 @!p0 $0x1C02  }
0x1a1: {  	[timem:s3], [sflag:s2] =	dma.local @!p0 [hbm:s0], s1  }
0x1a2: {  	s0 =	simm.s32 @!p0 $0x2  }
0x1a3: {  	_ =	swait.ge @!p0 [sflag:s0], s1  }
0x1a4: {  	s1 =	ssub.s32 @!p0 $0x0, s1;
	[sflag:s0] =	ssyncset.done @!p0 $0x0  }
0x1a5: {  	[sflag:s0] =	ssyncadd.s32 @!p0 s1  }
0x1a6: {  	[bflag:$0x3] =	sbarrier.arrive $0xFFFF  }
0x1a7: {  	_ =	shalt  }

</sc_bundles>
